<compile_context>
chip_gen: v7x
topology: tpu7x:2x2x1
jax: 0.10.2.dev20260603
libtpu: 0.0.44.dev20260713+nightly
codegen_flags: <defaults>
</compile_context>

<pallas_src>
import functools

import jax
import jax.numpy as jnp
from jax import lax
from jax.experimental import pallas as pl
from jax.experimental.pallas import tpu as pltpu
from jax.experimental.pallas import tpu_sc as plsc

N = 10000
D = 128
E = 320000

NC = 2
NS = 16
NW = NC * NS
EPW = E // NW
B = 80
NCHUNK = EPW // B
GROUPS = B // 16
NBUF = 5


DW = D // 2


def _mm_body(nf_ref, w_ref, o_ref):
    h = jnp.dot(nf_ref[:], w_ref[:], preferred_element_type=jnp.float32)
    lo = jax.lax.bitcast_convert_type(h[:, :DW].astype(jnp.bfloat16), jnp.uint16)
    hi = jax.lax.bitcast_convert_type(h[:, DW:].astype(jnp.bfloat16), jnp.uint16)
    word = lo.astype(jnp.uint32) | (hi.astype(jnp.uint32) << 16)
    o_ref[:] = jax.lax.bitcast_convert_type(word, jnp.int32)


def _project(nf, W):
    return pl.pallas_call(
        _mm_body,
        grid=(2,),
        in_specs=[
            pl.BlockSpec((N // 2, D), lambda i: (i, 0)),
            pl.BlockSpec((D, D), lambda i: (0, 0)),
        ],
        out_specs=pl.BlockSpec((N // 2, DW), lambda i: (i, 0)),
        out_shape=jax.ShapeDtypeStruct((N, DW), jnp.int32),
    )(nf, W)


def _sc_body(h_hbm, src_hbm, dst_hbm, label_hbm, out_hbm,
             src_idx_v, dst_idx_v, src_rows, dst_rows, label_v, out_v,
             semi, semr):
    cid = lax.axis_index("c")
    sid = lax.axis_index("s")
    wid = sid * NC + cid
    base0 = wid * EPW
    lane = lax.iota(jnp.int32, 16)

    ci1 = pltpu.async_copy(src_hbm.at[pl.ds(base0, EPW)], src_idx_v, semi)
    ci2 = pltpu.async_copy(dst_hbm.at[pl.ds(base0, EPW)], dst_idx_v, semi)
    ci3 = pltpu.async_copy(label_hbm.at[pl.ds(base0, EPW)], label_v, semi)
    ci1.wait()
    ci2.wait()
    ci3.wait()

    def issue(ci, b):
        loc = ci * B
        pltpu.async_copy(h_hbm.at[src_idx_v.at[pl.ds(loc, B)]],
                         src_rows.at[b], semr.at[b])
        pltpu.async_copy(h_hbm.at[dst_idx_v.at[pl.ds(loc, B)]],
                         dst_rows.at[b], semr.at[b])

    def wait_rows(b):
        pltpu.make_async_copy(h_hbm.at[src_idx_v.at[pl.ds(0, B)]],
                              src_rows.at[b], semr.at[b]).wait()
        pltpu.make_async_copy(h_hbm.at[dst_idx_v.at[pl.ds(0, B)]],
                              dst_rows.at[b], semr.at[b]).wait()

    for b in range(NBUF):
        issue(b, b)

    def it_body(it, carry):
        for b in range(NBUF):
            ci = it * NBUF + b
            wait_rows(b)
            cbase = ci * B

            @plsc.parallel_loop(0, GROUPS)
            def _groups(g):
                row = g * 16 + lane

                @plsc.parallel_loop(0, DW // 4, carry=jnp.zeros((16,), jnp.float32))
                def dot(j4, acc):
                    pb = None
                    for jj in range(4):
                        col = (lane + j4 * 4 + jj) & (DW - 1)
                        s = plsc.load_gather(src_rows.at[b], [row, col])
                        t = plsc.load_gather(dst_rows.at[b], [row, col])
                        p = (plsc.bitcast(s, jnp.bfloat16)
                             * plsc.bitcast(t, jnp.bfloat16))
                        pb = p if pb is None else pb + p
                    plo, phi = plsc.unpack(pb, format=plsc.PackFormat.INTERLEAVED)
                    return acc + plo + phi
                lab = label_v[pl.ds(cbase + g * 16, 16)]
                diff = (dot + 1.0) * 0.5 - lab
                out_v[pl.ds(cbase + g * 16, 16)] = diff * diff

            @pl.when(it < NCHUNK // NBUF - 1)
            def _():
                issue(ci + NBUF, b)
        return carry

    lax.fori_loop(0, NCHUNK // NBUF, it_body, 0)

    pltpu.sync_copy(out_v, out_hbm.at[pl.ds(base0, EPW)])


@functools.partial(jax.jit, static_argnames=())
def _edge_loss(h, src, dst, label):
    mesh = plsc.VectorSubcoreMesh(core_axis_name="c", subcore_axis_name="s")
    f = pl.kernel(
        _sc_body,
        out_type=jax.ShapeDtypeStruct((E,), jnp.float32),
        mesh=mesh,
        scratch_types=[
            pltpu.VMEM((EPW,), jnp.int32),
            pltpu.VMEM((EPW,), jnp.int32),
            pltpu.VMEM((NBUF, B, DW), jnp.int32),
            pltpu.VMEM((NBUF, B, DW), jnp.int32),
            pltpu.VMEM((EPW,), jnp.float32),
            pltpu.VMEM((EPW,), jnp.float32),
            pltpu.SemaphoreType.DMA,
            pltpu.SemaphoreType.DMA((NBUF,)),
        ],
        compiler_params=pltpu.CompilerParams(
            needs_layout_passes=False, use_tc_tiling_on_sc=False),
    )
    return f(h, src, dst, label)


def kernel(nf, src, dst, label, W):
    h = _project(nf, W)
    return _edge_loss(h, src, dst, label)

# --- scband reference (transcript-rebuilt; emitter-appended) ---
"""Pipeline reference for scband-graph-sagelogistic-embedding-15032385536067 (READ-ONLY COPY).

The authoritative reference and input builder live on the scoring server;
editing this copy changes nothing except your own understanding.
"""

import jax, jax.numpy as jnp
import numpy as np

N = 10000
D = 128
E = 320000

def setup_inputs(seed: int = 0) -> dict:
    key = jax.random.key(seed)
    k1, k2, k3, k4, k5 = jax.random.split(key, 5)
    # nf stands in for the DGL NodeFlow: we represent it by its layer-0 node features.
    nf = jax.random.normal(k1, (N, D), dtype=jnp.float32)
    # src/dst are parent node ids of the E sampled edges (map_from_parent_nid is
    # modeled as the identity mapping into the output layer's node ordering).
    src = jax.random.randint(k2, (E,), 0, N, dtype=jnp.int32)
    dst = jax.random.randint(k3, (E,), 0, N, dtype=jnp.int32)
    # binary link labels in {0, 1}
    label = jnp.round(jax.random.uniform(k4, (E,), dtype=jnp.float32))
    # The wrapped GraphSAGE `gcn` is modeled as a single learned linear projection
    # W applied to the node features (one SAGE layer without neighbor aggregation).
    W = jax.random.normal(k5, (D, D), dtype=jnp.float32) * 0.02
    return {"nf": nf, "src": src, "dst": dst, "label": label, "W": W}

def reference(nf, src, dst, label, W):
    # h_output = self.gcn(nf)
    h_output = nf @ W
    # h_src = h_output[nf.map_from_parent_nid(-1, src, True)]  -> identity id map
    h_src = jnp.take(h_output, src, axis=0)
    h_dst = jnp.take(h_output, dst, axis=0)
    dist = (h_src * h_dst).sum(1)
    dist = dist + 1.0
    dist = dist / 2.0
    score = (dist - label) ** 2
    return score

if __name__ == "__main__":
    import jax
    _d = setup_inputs()
    print(jax.jit(kernel)(*tuple(_d.values())))

</pallas_src>

<mosaic_0001>
#map = affine_map<(d0, d1) -> (0, 0)>
#map1 = affine_map<(d0, d1) -> (0)>
module attributes {stable_mosaic.version = 14 : i64} {
  func.func @_sc_body(%arg0: i32, %arg1: i32, %arg2: memref<10000x64xi32, #tpu.memory_space<hbm>>, %arg3: memref<320000xi32, #tpu.memory_space<hbm>>, %arg4: memref<320000xi32, #tpu.memory_space<hbm>>, %arg5: memref<320000xf32, #tpu.memory_space<hbm>>, %arg6: memref<320000xf32, #tpu.memory_space<hbm>>, %arg7: memref<10000xi32, #tpu.memory_space<vmem>>, %arg8: memref<10000xi32, #tpu.memory_space<vmem>>, %arg9: memref<5x80x64xi32, #tpu.memory_space<vmem>>, %arg10: memref<5x80x64xi32, #tpu.memory_space<vmem>>, %arg11: memref<10000xf32, #tpu.memory_space<vmem>>, %arg12: memref<10000xf32, #tpu.memory_space<vmem>>, %arg13: memref<!tpu.dma_semaphore, #tpu.memory_space<semaphore_mem>>, %arg14: memref<5x!tpu.dma_semaphore, #tpu.memory_space<semaphore_mem>>) attributes {dimension_semantics = [#tpu.dimension_semantics<core_parallel>, #tpu.dimension_semantics<subcore_parallel>], iteration_bounds = array<i64: 2, 16>, scalar_prefetch = 0 : i64, scratch_operands = 8 : i64, tpu.core_type = #tpu.core_type<sc_vector_subcore>, window_params = [{transform_indices = #map}, {transform_indices = #map1}, {transform_indices = #map1}, {transform_indices = #map1}, {transform_indices = #map1}]} {
    %mul3A = arith.constant 2 : i32
    %mul3A_0 = arith.muli %arg1, %mul3A : i32
    %add3A = arith.addi %mul3A_0, %arg0 : i32
    %mul3A_1 = arith.constant 10000 : i32
    %mul3A_2 = arith.muli %add3A, %mul3A_1 : i32
    %iota3A = tpu.iota {dimensions = array<i32: 0>} : vector<16xi32>
    %dma_start3A = tpu.memref_slice %arg3[%mul3A_2] : memref<320000xi32, #tpu.memory_space<hbm>> -> memref<10000xi32, #tpu.memory_space<hbm>>
    %dma_start3A_3 = tpu.memref_slice %arg3[%mul3A_2] : memref<320000xi32, #tpu.memory_space<hbm>> -> memref<10000xi32, #tpu.memory_space<hbm>>
    tpu.enqueue_dma source(%dma_start3A_3 : memref<10000xi32, #tpu.memory_space<hbm>>) target(%arg7 : memref<10000xi32, #tpu.memory_space<vmem>>) target_semaphore(%arg13 : memref<!tpu.dma_semaphore, #tpu.memory_space<semaphore_mem>>)
    %dma_start3A_4 = tpu.memref_slice %arg4[%mul3A_2] : memref<320000xi32, #tpu.memory_space<hbm>> -> memref<10000xi32, #tpu.memory_space<hbm>>
    %dma_start3A_5 = tpu.memref_slice %arg4[%mul3A_2] : memref<320000xi32, #tpu.memory_space<hbm>> -> memref<10000xi32, #tpu.memory_space<hbm>>
    tpu.enqueue_dma source(%dma_start3A_5 : memref<10000xi32, #tpu.memory_space<hbm>>) target(%arg8 : memref<10000xi32, #tpu.memory_space<vmem>>) target_semaphore(%arg13 : memref<!tpu.dma_semaphore, #tpu.memory_space<semaphore_mem>>)
    %dma_start3A_6 = tpu.memref_slice %arg5[%mul3A_2] : memref<320000xf32, #tpu.memory_space<hbm>> -> memref<10000xf32, #tpu.memory_space<hbm>>
    %dma_start3A_7 = tpu.memref_slice %arg5[%mul3A_2] : memref<320000xf32, #tpu.memory_space<hbm>> -> memref<10000xf32, #tpu.memory_space<hbm>>
    tpu.enqueue_dma source(%dma_start3A_7 : memref<10000xf32, #tpu.memory_space<hbm>>) target(%arg11 : memref<10000xf32, #tpu.memory_space<vmem>>) target_semaphore(%arg13 : memref<!tpu.dma_semaphore, #tpu.memory_space<semaphore_mem>>)
    %dma_wait3A = tpu.memref_slice %arg3[%mul3A_2] : memref<320000xi32, #tpu.memory_space<hbm>> -> memref<10000xi32, #tpu.memory_space<hbm>>
    %dma_wait3A_8 = tpu.memref_slice %arg3[%mul3A_2] : memref<320000xi32, #tpu.memory_space<hbm>> -> memref<10000xi32, #tpu.memory_space<hbm>>
    tpu.wait_dma2 semaphore(%arg13 : memref<!tpu.dma_semaphore, #tpu.memory_space<semaphore_mem>>) src(%dma_wait3A_8 : memref<10000xi32, #tpu.memory_space<hbm>>) dst(%arg7 : memref<10000xi32, #tpu.memory_space<vmem>>)
    %dma_wait3A_9 = tpu.memref_slice %arg4[%mul3A_2] : memref<320000xi32, #tpu.memory_space<hbm>> -> memref<10000xi32, #tpu.memory_space<hbm>>
    %dma_wait3A_10 = tpu.memref_slice %arg4[%mul3A_2] : memref<320000xi32, #tpu.memory_space<hbm>> -> memref<10000xi32, #tpu.memory_space<hbm>>
    tpu.wait_dma2 semaphore(%arg13 : memref<!tpu.dma_semaphore, #tpu.memory_space<semaphore_mem>>) src(%dma_wait3A_10 : memref<10000xi32, #tpu.memory_space<hbm>>) dst(%arg8 : memref<10000xi32, #tpu.memory_space<vmem>>)
    %dma_wait3A_11 = tpu.memref_slice %arg5[%mul3A_2] : memref<320000xf32, #tpu.memory_space<hbm>> -> memref<10000xf32, #tpu.memory_space<hbm>>
    %dma_wait3A_12 = tpu.memref_slice %arg5[%mul3A_2] : memref<320000xf32, #tpu.memory_space<hbm>> -> memref<10000xf32, #tpu.memory_space<hbm>>
    tpu.wait_dma2 semaphore(%arg13 : memref<!tpu.dma_semaphore, #tpu.memory_space<semaphore_mem>>) src(%dma_wait3A_12 : memref<10000xf32, #tpu.memory_space<hbm>>) dst(%arg11 : memref<10000xf32, #tpu.memory_space<vmem>>)
    %dma_start3A_13 = arith.constant 0 : i32
    %dma_start3A_14 = arith.constant 0 : i32
    %dma_start3A_15 = arith.constant 0 : i32
    %dma_start3A_16 = arith.constant 0 : i32
    %dma_start3A_17 = tpu.memref_slice %arg9[%dma_start3A_13, %dma_start3A_15, %dma_start3A_16] : memref<5x80x64xi32, #tpu.memory_space<vmem>> -> memref<1x80x64xi32, #tpu.memory_space<vmem>>
    %dma_start3A_18 = tpu.memref_squeeze %dma_start3A_17 : memref<1x80x64xi32, #tpu.memory_space<vmem>> -> memref<80x64xi32, #tpu.memory_space<vmem>>
    %dma_start3A_19 = arith.constant 0 : i32
    %dma_start3A_20 = tpu.memref_slice %arg7[%dma_start3A_19] : memref<10000xi32, #tpu.memory_space<vmem>> -> memref<80xi32, #tpu.memory_space<vmem>>
    %dma_start3A_21 = arith.constant 0 : i32
    %dma_start3A_22 = arith.constant 0 : i32
    %dma_start3A_23 = tpu.memref_slice %arg2[%dma_start3A_21, %dma_start3A_22] : memref<10000x64xi32, #tpu.memory_space<hbm>> -> memref<10000x64xi32, #tpu.memory_space<hbm>>
    %dma_start3A_24 = tpu.memref_slice %arg14[%dma_start3A_14] : memref<5x!tpu.dma_semaphore, #tpu.memory_space<semaphore_mem>> -> memref<1x!tpu.dma_semaphore, #tpu.memory_space<semaphore_mem>>
    %dma_start3A_25 = tpu.memref_squeeze %dma_start3A_24 : memref<1x!tpu.dma_semaphore, #tpu.memory_space<semaphore_mem>> -> memref<!tpu.dma_semaphore, #tpu.memory_space<semaphore_mem>>
    tpu.enqueue_indirect_dma source(%dma_start3A_23 : memref<10000x64xi32, #tpu.memory_space<hbm>>) target(%dma_start3A_18 : memref<80x64xi32, #tpu.memory_space<vmem>>) offsets(%dma_start3A_20 : memref<80xi32, #tpu.memory_space<vmem>>) semaphore(%dma_start3A_25 : memref<!tpu.dma_semaphore, #tpu.memory_space<semaphore_mem>>)
    %dma_start3A_26 = arith.constant 0 : i32
    %dma_start3A_27 = arith.constant 0 : i32
    %dma_start3A_28 = arith.constant 0 : i32
    %dma_start3A_29 = arith.constant 0 : i32
    %dma_start3A_30 = tpu.memref_slice %arg10[%dma_start3A_26, %dma_start3A_28, %dma_start3A_29] : memref<5x80x64xi32, #tpu.memory_space<vmem>> -> memref<1x80x64xi32, #tpu.memory_space<vmem>>
    %dma_start3A_31 = tpu.memref_squeeze %dma_start3A_30 : memref<1x80x64xi32, #tpu.memory_space<vmem>> -> memref<80x64xi32, #tpu.memory_space<vmem>>
    %dma_start3A_32 = arith.constant 0 : i32
    %dma_start3A_33 = tpu.memref_slice %arg8[%dma_start3A_32] : memref<10000xi32, #tpu.memory_space<vmem>> -> memref<80xi32, #tpu.memory_space<vmem>>
    %dma_start3A_34 = arith.constant 0 : i32
    %dma_start3A_35 = arith.constant 0 : i32
    %dma_start3A_36 = tpu.memref_slice %arg2[%dma_start3A_34, %dma_start3A_35] : memref<10000x64xi32, #tpu.memory_space<hbm>> -> memref<10000x64xi32, #tpu.memory_space<hbm>>
    %dma_start3A_37 = tpu.memref_slice %arg14[%dma_start3A_27] : memref<5x!tpu.dma_semaphore, #tpu.memory_space<semaphore_mem>> -> memref<1x!tpu.dma_semaphore, #tpu.memory_space<semaphore_mem>>
    %dma_start3A_38 = tpu.memref_squeeze %dma_start3A_37 : memref<1x!tpu.dma_semaphore, #tpu.memory_space<semaphore_mem>> -> memref<!tpu.dma_semaphore, #tpu.memory_space<semaphore_mem>>
    tpu.enqueue_indirect_dma source(%dma_start3A_36 : memref<10000x64xi32, #tpu.memory_space<hbm>>) target(%dma_start3A_31 : memref<80x64xi32, #tpu.memory_space<vmem>>) offsets(%dma_start3A_33 : memref<80xi32, #tpu.memory_space<vmem>>) semaphore(%dma_start3A_38 : memref<!tpu.dma_semaphore, #tpu.memory_space<semaphore_mem>>)
    %dma_start3A_39 = arith.constant 1 : i32
    %dma_start3A_40 = arith.constant 1 : i32
    %dma_start3A_41 = arith.constant 0 : i32
    %dma_start3A_42 = arith.constant 0 : i32
    %dma_start3A_43 = tpu.memref_slice %arg9[%dma_start3A_39, %dma_start3A_41, %dma_start3A_42] : memref<5x80x64xi32, #tpu.memory_space<vmem>> -> memref<1x80x64xi32, #tpu.memory_space<vmem>>
    %dma_start3A_44 = tpu.memref_squeeze %dma_start3A_43 : memref<1x80x64xi32, #tpu.memory_space<vmem>> -> memref<80x64xi32, #tpu.memory_space<vmem>>
    %dma_start3A_45 = arith.constant 80 : i32
    %dma_start3A_46 = tpu.memref_slice %arg7[%dma_start3A_45] : memref<10000xi32, #tpu.memory_space<vmem>> -> memref<80xi32, #tpu.memory_space<vmem>>
    %dma_start3A_47 = arith.constant 0 : i32
    %dma_start3A_48 = arith.constant 0 : i32
    %dma_start3A_49 = tpu.memref_slice %arg2[%dma_start3A_47, %dma_start3A_48] : memref<10000x64xi32, #tpu.memory_space<hbm>> -> memref<10000x64xi32, #tpu.memory_space<hbm>>
    %dma_start3A_50 = tpu.memref_slice %arg14[%dma_start3A_40] : memref<5x!tpu.dma_semaphore, #tpu.memory_space<semaphore_mem>> -> memref<1x!tpu.dma_semaphore, #tpu.memory_space<semaphore_mem>>
    %dma_start3A_51 = tpu.memref_squeeze %dma_start3A_50 : memref<1x!tpu.dma_semaphore, #tpu.memory_space<semaphore_mem>> -> memref<!tpu.dma_semaphore, #tpu.memory_space<semaphore_mem>>
    tpu.enqueue_indirect_dma source(%dma_start3A_49 : memref<10000x64xi32, #tpu.memory_space<hbm>>) target(%dma_start3A_44 : memref<80x64xi32, #tpu.memory_space<vmem>>) offsets(%dma_start3A_46 : memref<80xi32, #tpu.memory_space<vmem>>) semaphore(%dma_start3A_51 : memref<!tpu.dma_semaphore, #tpu.memory_space<semaphore_mem>>)
    %dma_start3A_52 = arith.constant 1 : i32
    %dma_start3A_53 = arith.constant 1 : i32
    %dma_start3A_54 = arith.constant 0 : i32
    %dma_start3A_55 = arith.constant 0 : i32
    %dma_start3A_56 = tpu.memref_slice %arg10[%dma_start3A_52, %dma_start3A_54, %dma_start3A_55] : memref<5x80x64xi32, #tpu.memory_space<vmem>> -> memref<1x80x64xi32, #tpu.memory_space<vmem>>
    %dma_start3A_57 = tpu.memref_squeeze %dma_start3A_56 : memref<1x80x64xi32, #tpu.memory_space<vmem>> -> memref<80x64xi32, #tpu.memory_space<vmem>>
    %dma_start3A_58 = arith.constant 80 : i32
    %dma_start3A_59 = tpu.memref_slice %arg8[%dma_start3A_58] : memref<10000xi32, #tpu.memory_space<vmem>> -> memref<80xi32, #tpu.memory_space<vmem>>
    %dma_start3A_60 = arith.constant 0 : i32
    %dma_start3A_61 = arith.constant 0 : i32
    %dma_start3A_62 = tpu.memref_slice %arg2[%dma_start3A_60, %dma_start3A_61] : memref<10000x64xi32, #tpu.memory_space<hbm>> -> memref<10000x64xi32, #tpu.memory_space<hbm>>
    %dma_start3A_63 = tpu.memref_slice %arg14[%dma_start3A_53] : memref<5x!tpu.dma_semaphore, #tpu.memory_space<semaphore_mem>> -> memref<1x!tpu.dma_semaphore, #tpu.memory_space<semaphore_mem>>
    %dma_start3A_64 = tpu.memref_squeeze %dma_start3A_63 : memref<1x!tpu.dma_semaphore, #tpu.memory_space<semaphore_mem>> -> memref<!tpu.dma_semaphore, #tpu.memory_space<semaphore_mem>>
    tpu.enqueue_indirect_dma source(%dma_start3A_62 : memref<10000x64xi32, #tpu.memory_space<hbm>>) target(%dma_start3A_57 : memref<80x64xi32, #tpu.memory_space<vmem>>) offsets(%dma_start3A_59 : memref<80xi32, #tpu.memory_space<vmem>>) semaphore(%dma_start3A_64 : memref<!tpu.dma_semaphore, #tpu.memory_space<semaphore_mem>>)
    %dma_start3A_65 = arith.constant 2 : i32
    %dma_start3A_66 = arith.constant 2 : i32
    %dma_start3A_67 = arith.constant 0 : i32
    %dma_start3A_68 = arith.constant 0 : i32
    %dma_start3A_69 = tpu.memref_slice %arg9[%dma_start3A_65, %dma_start3A_67, %dma_start3A_68] : memref<5x80x64xi32, #tpu.memory_space<vmem>> -> memref<1x80x64xi32, #tpu.memory_space<vmem>>
    %dma_start3A_70 = tpu.memref_squeeze %dma_start3A_69 : memref<1x80x64xi32, #tpu.memory_space<vmem>> -> memref<80x64xi32, #tpu.memory_space<vmem>>
    %dma_start3A_71 = arith.constant 160 : i32
    %dma_start3A_72 = tpu.memref_slice %arg7[%dma_start3A_71] : memref<10000xi32, #tpu.memory_space<vmem>> -> memref<80xi32, #tpu.memory_space<vmem>>
    %dma_start3A_73 = arith.constant 0 : i32
    %dma_start3A_74 = arith.constant 0 : i32
    %dma_start3A_75 = tpu.memref_slice %arg2[%dma_start3A_73, %dma_start3A_74] : memref<10000x64xi32, #tpu.memory_space<hbm>> -> memref<10000x64xi32, #tpu.memory_space<hbm>>
    %dma_start3A_76 = tpu.memref_slice %arg14[%dma_start3A_66] : memref<5x!tpu.dma_semaphore, #tpu.memory_space<semaphore_mem>> -> memref<1x!tpu.dma_semaphore, #tpu.memory_space<semaphore_mem>>
    %dma_start3A_77 = tpu.memref_squeeze %dma_start3A_76 : memref<1x!tpu.dma_semaphore, #tpu.memory_space<semaphore_mem>> -> memref<!tpu.dma_semaphore, #tpu.memory_space<semaphore_mem>>
    tpu.enqueue_indirect_dma source(%dma_start3A_75 : memref<10000x64xi32, #tpu.memory_space<hbm>>) target(%dma_start3A_70 : memref<80x64xi32, #tpu.memory_space<vmem>>) offsets(%dma_start3A_72 : memref<80xi32, #tpu.memory_space<vmem>>) semaphore(%dma_start3A_77 : memref<!tpu.dma_semaphore, #tpu.memory_space<semaphore_mem>>)
    %dma_start3A_78 = arith.constant 2 : i32
    %dma_start3A_79 = arith.constant 2 : i32
    %dma_start3A_80 = arith.constant 0 : i32
    %dma_start3A_81 = arith.constant 0 : i32
    %dma_start3A_82 = tpu.memref_slice %arg10[%dma_start3A_78, %dma_start3A_80, %dma_start3A_81] : memref<5x80x64xi32, #tpu.memory_space<vmem>> -> memref<1x80x64xi32, #tpu.memory_space<vmem>>
    %dma_start3A_83 = tpu.memref_squeeze %dma_start3A_82 : memref<1x80x64xi32, #tpu.memory_space<vmem>> -> memref<80x64xi32, #tpu.memory_space<vmem>>
    %dma_start3A_84 = arith.constant 160 : i32
    %dma_start3A_85 = tpu.memref_slice %arg8[%dma_start3A_84] : memref<10000xi32, #tpu.memory_space<vmem>> -> memref<80xi32, #tpu.memory_space<vmem>>
    %dma_start3A_86 = arith.constant 0 : i32
    %dma_start3A_87 = arith.constant 0 : i32
    %dma_start3A_88 = tpu.memref_slice %arg2[%dma_start3A_86, %dma_start3A_87] : memref<10000x64xi32, #tpu.memory_space<hbm>> -> memref<10000x64xi32, #tpu.memory_space<hbm>>
    %dma_start3A_89 = tpu.memref_slice %arg14[%dma_start3A_79] : memref<5x!tpu.dma_semaphore, #tpu.memory_space<semaphore_mem>> -> memref<1x!tpu.dma_semaphore, #tpu.memory_space<semaphore_mem>>
    %dma_start3A_90 = tpu.memref_squeeze %dma_start3A_89 : memref<1x!tpu.dma_semaphore, #tpu.memory_space<semaphore_mem>> -> memref<!tpu.dma_semaphore, #tpu.memory_space<semaphore_mem>>
    tpu.enqueue_indirect_dma source(%dma_start3A_88 : memref<10000x64xi32, #tpu.memory_space<hbm>>) target(%dma_start3A_83 : memref<80x64xi32, #tpu.memory_space<vmem>>) offsets(%dma_start3A_85 : memref<80xi32, #tpu.memory_space<vmem>>) semaphore(%dma_start3A_90 : memref<!tpu.dma_semaphore, #tpu.memory_space<semaphore_mem>>)
    %dma_start3A_91 = arith.constant 3 : i32
    %dma_start3A_92 = arith.constant 3 : i32
    %dma_start3A_93 = arith.constant 0 : i32
    %dma_start3A_94 = arith.constant 0 : i32
    %dma_start3A_95 = tpu.memref_slice %arg9[%dma_start3A_91, %dma_start3A_93, %dma_start3A_94] : memref<5x80x64xi32, #tpu.memory_space<vmem>> -> memref<1x80x64xi32, #tpu.memory_space<vmem>>
    %dma_start3A_96 = tpu.memref_squeeze %dma_start3A_95 : memref<1x80x64xi32, #tpu.memory_space<vmem>> -> memref<80x64xi32, #tpu.memory_space<vmem>>
    %dma_start3A_97 = arith.constant 240 : i32
    %dma_start3A_98 = tpu.memref_slice %arg7[%dma_start3A_97] : memref<10000xi32, #tpu.memory_space<vmem>> -> memref<80xi32, #tpu.memory_space<vmem>>
    %dma_start3A_99 = arith.constant 0 : i32
    %dma_start3A_100 = arith.constant 0 : i32
    %dma_start3A_101 = tpu.memref_slice %arg2[%dma_start3A_99, %dma_start3A_100] : memref<10000x64xi32, #tpu.memory_space<hbm>> -> memref<10000x64xi32, #tpu.memory_space<hbm>>
    %dma_start3A_102 = tpu.memref_slice %arg14[%dma_start3A_92] : memref<5x!tpu.dma_semaphore, #tpu.memory_space<semaphore_mem>> -> memref<1x!tpu.dma_semaphore, #tpu.memory_space<semaphore_mem>>
    %dma_start3A_103 = tpu.memref_squeeze %dma_start3A_102 : memref<1x!tpu.dma_semaphore, #tpu.memory_space<semaphore_mem>> -> memref<!tpu.dma_semaphore, #tpu.memory_space<semaphore_mem>>
    tpu.enqueue_indirect_dma source(%dma_start3A_101 : memref<10000x64xi32, #tpu.memory_space<hbm>>) target(%dma_start3A_96 : memref<80x64xi32, #tpu.memory_space<vmem>>) offsets(%dma_start3A_98 : memref<80xi32, #tpu.memory_space<vmem>>) semaphore(%dma_start3A_103 : memref<!tpu.dma_semaphore, #tpu.memory_space<semaphore_mem>>)
    %dma_start3A_104 = arith.constant 3 : i32
    %dma_start3A_105 = arith.constant 3 : i32
    %dma_start3A_106 = arith.constant 0 : i32
    %dma_start3A_107 = arith.constant 0 : i32
    %dma_start3A_108 = tpu.memref_slice %arg10[%dma_start3A_104, %dma_start3A_106, %dma_start3A_107] : memref<5x80x64xi32, #tpu.memory_space<vmem>> -> memref<1x80x64xi32, #tpu.memory_space<vmem>>
    %dma_start3A_109 = tpu.memref_squeeze %dma_start3A_108 : memref<1x80x64xi32, #tpu.memory_space<vmem>> -> memref<80x64xi32, #tpu.memory_space<vmem>>
    %dma_start3A_110 = arith.constant 240 : i32
    %dma_start3A_111 = tpu.memref_slice %arg8[%dma_start3A_110] : memref<10000xi32, #tpu.memory_space<vmem>> -> memref<80xi32, #tpu.memory_space<vmem>>
    %dma_start3A_112 = arith.constant 0 : i32
    %dma_start3A_113 = arith.constant 0 : i32
    %dma_start3A_114 = tpu.memref_slice %arg2[%dma_start3A_112, %dma_start3A_113] : memref<10000x64xi32, #tpu.memory_space<hbm>> -> memref<10000x64xi32, #tpu.memory_space<hbm>>
    %dma_start3A_115 = tpu.memref_slice %arg14[%dma_start3A_105] : memref<5x!tpu.dma_semaphore, #tpu.memory_space<semaphore_mem>> -> memref<1x!tpu.dma_semaphore, #tpu.memory_space<semaphore_mem>>
    %dma_start3A_116 = tpu.memref_squeeze %dma_start3A_115 : memref<1x!tpu.dma_semaphore, #tpu.memory_space<semaphore_mem>> -> memref<!tpu.dma_semaphore, #tpu.memory_space<semaphore_mem>>
    tpu.enqueue_indirect_dma source(%dma_start3A_114 : memref<10000x64xi32, #tpu.memory_space<hbm>>) target(%dma_start3A_109 : memref<80x64xi32, #tpu.memory_space<vmem>>) offsets(%dma_start3A_111 : memref<80xi32, #tpu.memory_space<vmem>>) semaphore(%dma_start3A_116 : memref<!tpu.dma_semaphore, #tpu.memory_space<semaphore_mem>>)
    %dma_start3A_117 = arith.constant 4 : i32
    %dma_start3A_118 = arith.constant 4 : i32
    %dma_start3A_119 = arith.constant 0 : i32
    %dma_start3A_120 = arith.constant 0 : i32
    %dma_start3A_121 = tpu.memref_slice %arg9[%dma_start3A_117, %dma_start3A_119, %dma_start3A_120] : memref<5x80x64xi32, #tpu.memory_space<vmem>> -> memref<1x80x64xi32, #tpu.memory_space<vmem>>
    %dma_start3A_122 = tpu.memref_squeeze %dma_start3A_121 : memref<1x80x64xi32, #tpu.memory_space<vmem>> -> memref<80x64xi32, #tpu.memory_space<vmem>>
    %dma_start3A_123 = arith.constant 320 : i32
    %dma_start3A_124 = tpu.memref_slice %arg7[%dma_start3A_123] : memref<10000xi32, #tpu.memory_space<vmem>> -> memref<80xi32, #tpu.memory_space<vmem>>
    %dma_start3A_125 = arith.constant 0 : i32
    %dma_start3A_126 = arith.constant 0 : i32
    %dma_start3A_127 = tpu.memref_slice %arg2[%dma_start3A_125, %dma_start3A_126] : memref<10000x64xi32, #tpu.memory_space<hbm>> -> memref<10000x64xi32, #tpu.memory_space<hbm>>
    %dma_start3A_128 = tpu.memref_slice %arg14[%dma_start3A_118] : memref<5x!tpu.dma_semaphore, #tpu.memory_space<semaphore_mem>> -> memref<1x!tpu.dma_semaphore, #tpu.memory_space<semaphore_mem>>
    %dma_start3A_129 = tpu.memref_squeeze %dma_start3A_128 : memref<1x!tpu.dma_semaphore, #tpu.memory_space<semaphore_mem>> -> memref<!tpu.dma_semaphore, #tpu.memory_space<semaphore_mem>>
    tpu.enqueue_indirect_dma source(%dma_start3A_127 : memref<10000x64xi32, #tpu.memory_space<hbm>>) target(%dma_start3A_122 : memref<80x64xi32, #tpu.memory_space<vmem>>) offsets(%dma_start3A_124 : memref<80xi32, #tpu.memory_space<vmem>>) semaphore(%dma_start3A_129 : memref<!tpu.dma_semaphore, #tpu.memory_space<semaphore_mem>>)
    %dma_start3A_130 = arith.constant 4 : i32
    %dma_start3A_131 = arith.constant 4 : i32
    %dma_start3A_132 = arith.constant 0 : i32
    %dma_start3A_133 = arith.constant 0 : i32
    %dma_start3A_134 = tpu.memref_slice %arg10[%dma_start3A_130, %dma_start3A_132, %dma_start3A_133] : memref<5x80x64xi32, #tpu.memory_space<vmem>> -> memref<1x80x64xi32, #tpu.memory_space<vmem>>
    %dma_start3A_135 = tpu.memref_squeeze %dma_start3A_134 : memref<1x80x64xi32, #tpu.memory_space<vmem>> -> memref<80x64xi32, #tpu.memory_space<vmem>>
    %dma_start3A_136 = arith.constant 320 : i32
    %dma_start3A_137 = tpu.memref_slice %arg8[%dma_start3A_136] : memref<10000xi32, #tpu.memory_space<vmem>> -> memref<80xi32, #tpu.memory_space<vmem>>
    %dma_start3A_138 = arith.constant 0 : i32
    %dma_start3A_139 = arith.constant 0 : i32
    %dma_start3A_140 = tpu.memref_slice %arg2[%dma_start3A_138, %dma_start3A_139] : memref<10000x64xi32, #tpu.memory_space<hbm>> -> memref<10000x64xi32, #tpu.memory_space<hbm>>
    %dma_start3A_141 = tpu.memref_slice %arg14[%dma_start3A_131] : memref<5x!tpu.dma_semaphore, #tpu.memory_space<semaphore_mem>> -> memref<1x!tpu.dma_semaphore, #tpu.memory_space<semaphore_mem>>
    %dma_start3A_142 = tpu.memref_squeeze %dma_start3A_141 : memref<1x!tpu.dma_semaphore, #tpu.memory_space<semaphore_mem>> -> memref<!tpu.dma_semaphore, #tpu.memory_space<semaphore_mem>>
    tpu.enqueue_indirect_dma source(%dma_start3A_140 : memref<10000x64xi32, #tpu.memory_space<hbm>>) target(%dma_start3A_135 : memref<80x64xi32, #tpu.memory_space<vmem>>) offsets(%dma_start3A_137 : memref<80xi32, #tpu.memory_space<vmem>>) semaphore(%dma_start3A_142 : memref<!tpu.dma_semaphore, #tpu.memory_space<semaphore_mem>>)
    %scan3A = arith.constant 0 : i32
    %scan3A_143 = arith.constant 0 : i32
    %scan3A_144 = arith.constant 25 : i32
    %scan3A_145 = arith.addi %scan3A_143, %scan3A_144 : i32
    %scan3A_146 = arith.constant 1 : i32
    scf.for %scan3A_148 = %scan3A_143 to %scan3A_145 step %scan3A_146  : i32 {
      %mul3A_149 = arith.constant 5 : i32
      %mul3A_150 = arith.muli %scan3A_148, %mul3A_149 : i32
      %add3A_151 = arith.constant 0 : i32
      %add3A_152 = arith.addi %mul3A_150, %add3A_151 : i32
      %dma_wait3A_153 = arith.constant 0 : i32
      %dma_wait3A_154 = arith.constant 0 : i32
      %dma_wait3A_155 = arith.constant 0 : i32
      %dma_wait3A_156 = arith.constant 0 : i32
      %dma_wait3A_157 = tpu.memref_slice %arg9[%dma_wait3A_153, %dma_wait3A_155, %dma_wait3A_156] : memref<5x80x64xi32, #tpu.memory_space<vmem>> -> memref<1x80x64xi32, #tpu.memory_space<vmem>>
      %dma_wait3A_158 = tpu.memref_squeeze %dma_wait3A_157 : memref<1x80x64xi32, #tpu.memory_space<vmem>> -> memref<80x64xi32, #tpu.memory_space<vmem>>
      %dma_wait3A_159 = arith.constant 0 : i32
      %dma_wait3A_160 = tpu.memref_slice %arg7[%dma_wait3A_159] : memref<10000xi32, #tpu.memory_space<vmem>> -> memref<80xi32, #tpu.memory_space<vmem>>
      %dma_wait3A_161 = arith.constant 0 : i32
      %dma_wait3A_162 = arith.constant 0 : i32
      %dma_wait3A_163 = tpu.memref_slice %arg2[%dma_wait3A_161, %dma_wait3A_162] : memref<10000x64xi32, #tpu.memory_space<hbm>> -> memref<10000x64xi32, #tpu.memory_space<hbm>>
      %dma_wait3A_164 = tpu.memref_slice %arg14[%dma_wait3A_154] : memref<5x!tpu.dma_semaphore, #tpu.memory_space<semaphore_mem>> -> memref<1x!tpu.dma_semaphore, #tpu.memory_space<semaphore_mem>>
      %dma_wait3A_165 = tpu.memref_squeeze %dma_wait3A_164 : memref<1x!tpu.dma_semaphore, #tpu.memory_space<semaphore_mem>> -> memref<!tpu.dma_semaphore, #tpu.memory_space<semaphore_mem>>
      tpu.wait_indirect_dma semaphore(%dma_wait3A_165 : memref<!tpu.dma_semaphore, #tpu.memory_space<semaphore_mem>>) src(%dma_wait3A_163 : memref<10000x64xi32, #tpu.memory_space<hbm>>) dst(%dma_wait3A_158 : memref<80x64xi32, #tpu.memory_space<vmem>>)
      %dma_wait3A_166 = arith.constant 0 : i32
      %dma_wait3A_167 = arith.constant 0 : i32
      %dma_wait3A_168 = arith.constant 0 : i32
      %dma_wait3A_169 = arith.constant 0 : i32
      %dma_wait3A_170 = tpu.memref_slice %arg10[%dma_wait3A_166, %dma_wait3A_168, %dma_wait3A_169] : memref<5x80x64xi32, #tpu.memory_space<vmem>> -> memref<1x80x64xi32, #tpu.memory_space<vmem>>
      %dma_wait3A_171 = tpu.memref_squeeze %dma_wait3A_170 : memref<1x80x64xi32, #tpu.memory_space<vmem>> -> memref<80x64xi32, #tpu.memory_space<vmem>>
      %dma_wait3A_172 = arith.constant 0 : i32
      %dma_wait3A_173 = tpu.memref_slice %arg8[%dma_wait3A_172] : memref<10000xi32, #tpu.memory_space<vmem>> -> memref<80xi32, #tpu.memory_space<vmem>>
      %dma_wait3A_174 = arith.constant 0 : i32
      %dma_wait3A_175 = arith.constant 0 : i32
      %dma_wait3A_176 = tpu.memref_slice %arg2[%dma_wait3A_174, %dma_wait3A_175] : memref<10000x64xi32, #tpu.memory_space<hbm>> -> memref<10000x64xi32, #tpu.memory_space<hbm>>
      %dma_wait3A_177 = tpu.memref_slice %arg14[%dma_wait3A_167] : memref<5x!tpu.dma_semaphore, #tpu.memory_space<semaphore_mem>> -> memref<1x!tpu.dma_semaphore, #tpu.memory_space<semaphore_mem>>
      %dma_wait3A_178 = tpu.memref_squeeze %dma_wait3A_177 : memref<1x!tpu.dma_semaphore, #tpu.memory_space<semaphore_mem>> -> memref<!tpu.dma_semaphore, #tpu.memory_space<semaphore_mem>>
      tpu.wait_indirect_dma semaphore(%dma_wait3A_178 : memref<!tpu.dma_semaphore, #tpu.memory_space<semaphore_mem>>) src(%dma_wait3A_176 : memref<10000x64xi32, #tpu.memory_space<hbm>>) dst(%dma_wait3A_171 : memref<80x64xi32, #tpu.memory_space<vmem>>)
      %mul3A_179 = arith.constant 80 : i32
      %mul3A_180 = arith.muli %add3A_152, %mul3A_179 : i32
      %parallel_loop3A = arith.constant 0 : i32
      %parallel_loop3A_181 = arith.constant 5 : i32
      %parallel_loop3A_182 = arith.constant 1 : i32
      scf.for %parallel_loop3A_345 = %parallel_loop3A to %parallel_loop3A_181 step %parallel_loop3A_182  : i32 {
        %parallel_loop3A_346 = arith.constant 16 : i32
        %parallel_loop3A_347 = arith.muli %parallel_loop3A_345, %parallel_loop3A_346 : i32
        %parallel_loop3A_348 = vector.broadcast %parallel_loop3A_347 : i32 to vector<16xi32>
        %parallel_loop3A_349 = arith.addi %parallel_loop3A_348, %iota3A : vector<16xi32>
        %parallel_loop3A_350 = arith.constant 0.000000e+00 : f32
        %parallel_loop3A_351 = vector.broadcast %parallel_loop3A_350 : f32 to vector<16xf32>
        %parallel_loop3A_352 = arith.constant 0 : i32
        %parallel_loop3A_353 = arith.constant 16 : i32
        %parallel_loop3A_354 = arith.constant 1 : i32
        %parallel_loop3A_355 = scf.for %parallel_loop3A_374 = %parallel_loop3A_352 to %parallel_loop3A_353 step %parallel_loop3A_354 iter_args(%parallel_loop3A_375 = %parallel_loop3A_351) -> (vector<16xf32>)  : i32 {
          %parallel_loop3A_376 = arith.constant 4 : i32
          %parallel_loop3A_377 = arith.muli %parallel_loop3A_374, %parallel_loop3A_376 : i32
          %parallel_loop3A_378 = vector.broadcast %parallel_loop3A_377 : i32 to vector<16xi32>
          %parallel_loop3A_379 = arith.addi %iota3A, %parallel_loop3A_378 : vector<16xi32>
          %parallel_loop3A_380 = arith.constant 0 : i32
          %parallel_loop3A_381 = vector.broadcast %parallel_loop3A_380 : i32 to vector<16xi32>
          %parallel_loop3A_382 = arith.addi %parallel_loop3A_379, %parallel_loop3A_381 : vector<16xi32>
          %parallel_loop3A_383 = arith.constant 63 : i32
          %parallel_loop3A_384 = vector.broadcast %parallel_loop3A_383 : i32 to vector<16xi32>
          %parallel_loop3A_385 = arith.andi %parallel_loop3A_382, %parallel_loop3A_384 : vector<16xi32>
          %parallel_loop3A_386 = arith.constant 0 : i32
          %parallel_loop3A_387 = arith.constant 0 : i32
          %parallel_loop3A_388 = arith.constant 0 : i32
          %parallel_loop3A_389 = tpu.memref_slice %arg9[%parallel_loop3A_386, %parallel_loop3A_387, %parallel_loop3A_388] : memref<5x80x64xi32, #tpu.memory_space<vmem>> -> memref<1x80x64xi32, #tpu.memory_space<vmem>>
          %parallel_loop3A_390 = tpu.memref_squeeze %parallel_loop3A_389 : memref<1x80x64xi32, #tpu.memory_space<vmem>> -> memref<80x64xi32, #tpu.memory_space<vmem>>
          %parallel_loop3A_391 = tpu.vector_load_idx %parallel_loop3A_390[%parallel_loop3A_349, %parallel_loop3A_385] : memref<80x64xi32, #tpu.memory_space<vmem>>[vector<16xi32>, vector<16xi32>], vector<16xi32>,
          %parallel_loop3A_392 = arith.constant 0 : i32
          %parallel_loop3A_393 = arith.constant 0 : i32
          %parallel_loop3A_394 = arith.constant 0 : i32
          %parallel_loop3A_395 = tpu.memref_slice %arg10[%parallel_loop3A_392, %parallel_loop3A_393, %parallel_loop3A_394] : memref<5x80x64xi32, #tpu.memory_space<vmem>> -> memref<1x80x64xi32, #tpu.memory_space<vmem>>
          %parallel_loop3A_396 = tpu.memref_squeeze %parallel_loop3A_395 : memref<1x80x64xi32, #tpu.memory_space<vmem>> -> memref<80x64xi32, #tpu.memory_space<vmem>>
          %parallel_loop3A_397 = tpu.vector_load_idx %parallel_loop3A_396[%parallel_loop3A_349, %parallel_loop3A_385] : memref<80x64xi32, #tpu.memory_space<vmem>>[vector<16xi32>, vector<16xi32>], vector<16xi32>,
          %parallel_loop3A_398 = vector.bitcast %parallel_loop3A_391 : vector<16xi32> to vector<32xbf16>
          %parallel_loop3A_399 = vector.bitcast %parallel_loop3A_397 : vector<16xi32> to vector<32xbf16>
          %parallel_loop3A_400 = arith.mulf %parallel_loop3A_398, %parallel_loop3A_399 : vector<32xbf16>
          %parallel_loop3A_401 = arith.constant 4 : i32
          %parallel_loop3A_402 = arith.muli %parallel_loop3A_374, %parallel_loop3A_401 : i32
          %parallel_loop3A_403 = vector.broadcast %parallel_loop3A_402 : i32 to vector<16xi32>
          %parallel_loop3A_404 = arith.addi %iota3A, %parallel_loop3A_403 : vector<16xi32>
          %parallel_loop3A_405 = arith.constant 1 : i32
          %parallel_loop3A_406 = vector.broadcast %parallel_loop3A_405 : i32 to vector<16xi32>
          %parallel_loop3A_407 = arith.addi %parallel_loop3A_404, %parallel_loop3A_406 : vector<16xi32>
          %parallel_loop3A_408 = arith.constant 63 : i32
          %parallel_loop3A_409 = vector.broadcast %parallel_loop3A_408 : i32 to vector<16xi32>
          %parallel_loop3A_410 = arith.andi %parallel_loop3A_407, %parallel_loop3A_409 : vector<16xi32>
          %parallel_loop3A_411 = arith.constant 0 : i32
          %parallel_loop3A_412 = arith.constant 0 : i32
          %parallel_loop3A_413 = arith.constant 0 : i32
          %parallel_loop3A_414 = tpu.memref_slice %arg9[%parallel_loop3A_411, %parallel_loop3A_412, %parallel_loop3A_413] : memref<5x80x64xi32, #tpu.memory_space<vmem>> -> memref<1x80x64xi32, #tpu.memory_space<vmem>>
          %parallel_loop3A_415 = tpu.memref_squeeze %parallel_loop3A_414 : memref<1x80x64xi32, #tpu.memory_space<vmem>> -> memref<80x64xi32, #tpu.memory_space<vmem>>
          %parallel_loop3A_416 = tpu.vector_load_idx %parallel_loop3A_415[%parallel_loop3A_349, %parallel_loop3A_410] : memref<80x64xi32, #tpu.memory_space<vmem>>[vector<16xi32>, vector<16xi32>], vector<16xi32>,
          %parallel_loop3A_417 = arith.constant 0 : i32
          %parallel_loop3A_418 = arith.constant 0 : i32
          %parallel_loop3A_419 = arith.constant 0 : i32
          %parallel_loop3A_420 = tpu.memref_slice %arg10[%parallel_loop3A_417, %parallel_loop3A_418, %parallel_loop3A_419] : memref<5x80x64xi32, #tpu.memory_space<vmem>> -> memref<1x80x64xi32, #tpu.memory_space<vmem>>
          %parallel_loop3A_421 = tpu.memref_squeeze %parallel_loop3A_420 : memref<1x80x64xi32, #tpu.memory_space<vmem>> -> memref<80x64xi32, #tpu.memory_space<vmem>>
          %parallel_loop3A_422 = tpu.vector_load_idx %parallel_loop3A_421[%parallel_loop3A_349, %parallel_loop3A_410] : memref<80x64xi32, #tpu.memory_space<vmem>>[vector<16xi32>, vector<16xi32>], vector<16xi32>,
          %parallel_loop3A_423 = vector.bitcast %parallel_loop3A_416 : vector<16xi32> to vector<32xbf16>
          %parallel_loop3A_424 = vector.bitcast %parallel_loop3A_422 : vector<16xi32> to vector<32xbf16>
          %parallel_loop3A_425 = arith.mulf %parallel_loop3A_423, %parallel_loop3A_424 : vector<32xbf16>
          %parallel_loop3A_426 = arith.addf %parallel_loop3A_400, %parallel_loop3A_425 : vector<32xbf16>
          %parallel_loop3A_427 = arith.constant 4 : i32
          %parallel_loop3A_428 = arith.muli %parallel_loop3A_374, %parallel_loop3A_427 : i32
          %parallel_loop3A_429 = vector.broadcast %parallel_loop3A_428 : i32 to vector<16xi32>
          %parallel_loop3A_430 = arith.addi %iota3A, %parallel_loop3A_429 : vector<16xi32>
          %parallel_loop3A_431 = arith.constant 2 : i32
          %parallel_loop3A_432 = vector.broadcast %parallel_loop3A_431 : i32 to vector<16xi32>
          %parallel_loop3A_433 = arith.addi %parallel_loop3A_430, %parallel_loop3A_432 : vector<16xi32>
          %parallel_loop3A_434 = arith.constant 63 : i32
          %parallel_loop3A_435 = vector.broadcast %parallel_loop3A_434 : i32 to vector<16xi32>
          %parallel_loop3A_436 = arith.andi %parallel_loop3A_433, %parallel_loop3A_435 : vector<16xi32>
          %parallel_loop3A_437 = arith.constant 0 : i32
          %parallel_loop3A_438 = arith.constant 0 : i32
          %parallel_loop3A_439 = arith.constant 0 : i32
          %parallel_loop3A_440 = tpu.memref_slice %arg9[%parallel_loop3A_437, %parallel_loop3A_438, %parallel_loop3A_439] : memref<5x80x64xi32, #tpu.memory_space<vmem>> -> memref<1x80x64xi32, #tpu.memory_space<vmem>>
          %parallel_loop3A_441 = tpu.memref_squeeze %parallel_loop3A_440 : memref<1x80x64xi32, #tpu.memory_space<vmem>> -> memref<80x64xi32, #tpu.memory_space<vmem>>
          %parallel_loop3A_442 = tpu.vector_load_idx %parallel_loop3A_441[%parallel_loop3A_349, %parallel_loop3A_436] : memref<80x64xi32, #tpu.memory_space<vmem>>[vector<16xi32>, vector<16xi32>], vector<16xi32>,
          %parallel_loop3A_443 = arith.constant 0 : i32
          %parallel_loop3A_444 = arith.constant 0 : i32
          %parallel_loop3A_445 = arith.constant 0 : i32
          %parallel_loop3A_446 = tpu.memref_slice %arg10[%parallel_loop3A_443, %parallel_loop3A_444, %parallel_loop3A_445] : memref<5x80x64xi32, #tpu.memory_space<vmem>> -> memref<1x80x64xi32, #tpu.memory_space<vmem>>
          %parallel_loop3A_447 = tpu.memref_squeeze %parallel_loop3A_446 : memref<1x80x64xi32, #tpu.memory_space<vmem>> -> memref<80x64xi32, #tpu.memory_space<vmem>>
          %parallel_loop3A_448 = tpu.vector_load_idx %parallel_loop3A_447[%parallel_loop3A_349, %parallel_loop3A_436] : memref<80x64xi32, #tpu.memory_space<vmem>>[vector<16xi32>, vector<16xi32>], vector<16xi32>,
          %parallel_loop3A_449 = vector.bitcast %parallel_loop3A_442 : vector<16xi32> to vector<32xbf16>
          %parallel_loop3A_450 = vector.bitcast %parallel_loop3A_448 : vector<16xi32> to vector<32xbf16>
          %parallel_loop3A_451 = arith.mulf %parallel_loop3A_449, %parallel_loop3A_450 : vector<32xbf16>
          %parallel_loop3A_452 = arith.addf %parallel_loop3A_426, %parallel_loop3A_451 : vector<32xbf16>
          %parallel_loop3A_453 = arith.constant 4 : i32
          %parallel_loop3A_454 = arith.muli %parallel_loop3A_374, %parallel_loop3A_453 : i32
          %parallel_loop3A_455 = vector.broadcast %parallel_loop3A_454 : i32 to vector<16xi32>
          %parallel_loop3A_456 = arith.addi %iota3A, %parallel_loop3A_455 : vector<16xi32>
          %parallel_loop3A_457 = arith.constant 3 : i32
          %parallel_loop3A_458 = vector.broadcast %parallel_loop3A_457 : i32 to vector<16xi32>
          %parallel_loop3A_459 = arith.addi %parallel_loop3A_456, %parallel_loop3A_458 : vector<16xi32>
          %parallel_loop3A_460 = arith.constant 63 : i32
          %parallel_loop3A_461 = vector.broadcast %parallel_loop3A_460 : i32 to vector<16xi32>
          %parallel_loop3A_462 = arith.andi %parallel_loop3A_459, %parallel_loop3A_461 : vector<16xi32>
          %parallel_loop3A_463 = arith.constant 0 : i32
          %parallel_loop3A_464 = arith.constant 0 : i32
          %parallel_loop3A_465 = arith.constant 0 : i32
          %parallel_loop3A_466 = tpu.memref_slice %arg9[%parallel_loop3A_463, %parallel_loop3A_464, %parallel_loop3A_465] : memref<5x80x64xi32, #tpu.memory_space<vmem>> -> memref<1x80x64xi32, #tpu.memory_space<vmem>>
          %parallel_loop3A_467 = tpu.memref_squeeze %parallel_loop3A_466 : memref<1x80x64xi32, #tpu.memory_space<vmem>> -> memref<80x64xi32, #tpu.memory_space<vmem>>
          %parallel_loop3A_468 = tpu.vector_load_idx %parallel_loop3A_467[%parallel_loop3A_349, %parallel_loop3A_462] : memref<80x64xi32, #tpu.memory_space<vmem>>[vector<16xi32>, vector<16xi32>], vector<16xi32>,
          %parallel_loop3A_469 = arith.constant 0 : i32
          %parallel_loop3A_470 = arith.constant 0 : i32
          %parallel_loop3A_471 = arith.constant 0 : i32
          %parallel_loop3A_472 = tpu.memref_slice %arg10[%parallel_loop3A_469, %parallel_loop3A_470, %parallel_loop3A_471] : memref<5x80x64xi32, #tpu.memory_space<vmem>> -> memref<1x80x64xi32, #tpu.memory_space<vmem>>
          %parallel_loop3A_473 = tpu.memref_squeeze %parallel_loop3A_472 : memref<1x80x64xi32, #tpu.memory_space<vmem>> -> memref<80x64xi32, #tpu.memory_space<vmem>>
          %parallel_loop3A_474 = tpu.vector_load_idx %parallel_loop3A_473[%parallel_loop3A_349, %parallel_loop3A_462] : memref<80x64xi32, #tpu.memory_space<vmem>>[vector<16xi32>, vector<16xi32>], vector<16xi32>,
          %parallel_loop3A_475 = vector.bitcast %parallel_loop3A_468 : vector<16xi32> to vector<32xbf16>
          %parallel_loop3A_476 = vector.bitcast %parallel_loop3A_474 : vector<16xi32> to vector<32xbf16>
          %parallel_loop3A_477 = arith.mulf %parallel_loop3A_475, %parallel_loop3A_476 : vector<32xbf16>
          %parallel_loop3A_478 = arith.addf %parallel_loop3A_452, %parallel_loop3A_477 : vector<32xbf16>
          %parallel_loop3A_479 = tpu.unpack_subelements %parallel_loop3A_478, 0 {pack_format = #tpu.pack_format<interleaved>} : vector<32xbf16> -> vector<16xf32>
          %parallel_loop3A_480 = tpu.unpack_subelements %parallel_loop3A_478, 1 {pack_format = #tpu.pack_format<interleaved>} : vector<32xbf16> -> vector<16xf32>
          %parallel_loop3A_481 = arith.addf %parallel_loop3A_375, %parallel_loop3A_479 : vector<16xf32>
          %parallel_loop3A_482 = arith.addf %parallel_loop3A_481, %parallel_loop3A_480 : vector<16xf32>
          scf.yield %parallel_loop3A_482 : vector<16xf32>
        } {sc.loop_unroll_factor = 1 : i64, sc.parallel_access}
        %parallel_loop3A_356 = arith.constant 16 : i32
        %parallel_loop3A_357 = arith.muli %parallel_loop3A_345, %parallel_loop3A_356 : i32
        %parallel_loop3A_358 = arith.addi %mul3A_180, %parallel_loop3A_357 : i32
        %parallel_loop3A_359 = arith.index_cast %parallel_loop3A_358 : i32 to index
        %parallel_loop3A_360 = tpu.vector_load %arg11[%parallel_loop3A_359] {strides = array<i32>} : memref<10000xf32, #tpu.memory_space<vmem>>, vector<16xf32>,
        %parallel_loop3A_361 = arith.constant 1.000000e+00 : f32
        %parallel_loop3A_362 = vector.broadcast %parallel_loop3A_361 : f32 to vector<16xf32>
        %parallel_loop3A_363 = arith.addf %parallel_loop3A_355, %parallel_loop3A_362 : vector<16xf32>
        %parallel_loop3A_364 = arith.constant 5.000000e-01 : f32
        %parallel_loop3A_365 = vector.broadcast %parallel_loop3A_364 : f32 to vector<16xf32>
        %parallel_loop3A_366 = arith.mulf %parallel_loop3A_363, %parallel_loop3A_365 : vector<16xf32>
        %parallel_loop3A_367 = arith.subf %parallel_loop3A_366, %parallel_loop3A_360 : vector<16xf32>
        %parallel_loop3A_368 = arith.mulf %parallel_loop3A_367, %parallel_loop3A_367 : vector<16xf32>
        %parallel_loop3A_369 = arith.constant 16 : i32
        %parallel_loop3A_370 = arith.muli %parallel_loop3A_345, %parallel_loop3A_369 : i32
        %parallel_loop3A_371 = arith.addi %mul3A_180, %parallel_loop3A_370 : i32
        %parallel_loop3A_372 = arith.index_cast %parallel_loop3A_371 : i32 to index
        %parallel_loop3A_373 = tpu.vector_load %arg12[%parallel_loop3A_372] {strides = array<i32>} : memref<10000xf32, #tpu.memory_space<vmem>>, vector<16xf32>,
        tpu.vector_store %arg12[%parallel_loop3A_372], %parallel_loop3A_368 {strides = array<i32>} : memref<10000xf32, #tpu.memory_space<vmem>>, vector<16xf32>,
      } {sc.loop_unroll_factor = 1 : i64, sc.parallel_access}
      %lt3A = arith.constant 24 : i32
      %lt3A_183 = arith.cmpi slt, %scan3A_148, %lt3A : i32
      %convert_element_type3A = arith.extui %lt3A_183 : i1 to i32
      %cond3A = arith.constant 0 : i32
      %cond3A_184 = arith.cmpi ne, %convert_element_type3A, %cond3A : i32
      scf.if %cond3A_184 {
        %add3A_345 = arith.constant 5 : i32
        %add3A_346 = arith.addi %add3A_152, %add3A_345 : i32
        %mul3A_347 = arith.constant 80 : i32
        %mul3A_348 = arith.muli %add3A_346, %mul3A_347 : i32
        %dma_start3A_349 = arith.constant 0 : i32
        %dma_start3A_350 = arith.constant 0 : i32
        %dma_start3A_351 = arith.constant 0 : i32
        %dma_start3A_352 = arith.constant 0 : i32
        %dma_start3A_353 = tpu.memref_slice %arg9[%dma_start3A_349, %dma_start3A_351, %dma_start3A_352] : memref<5x80x64xi32, #tpu.memory_space<vmem>> -> memref<1x80x64xi32, #tpu.memory_space<vmem>>
        %dma_start3A_354 = tpu.memref_squeeze %dma_start3A_353 : memref<1x80x64xi32, #tpu.memory_space<vmem>> -> memref<80x64xi32, #tpu.memory_space<vmem>>
        %dma_start3A_355 = tpu.memref_slice %arg7[%mul3A_348] : memref<10000xi32, #tpu.memory_space<vmem>> -> memref<80xi32, #tpu.memory_space<vmem>>
        %dma_start3A_356 = arith.constant 0 : i32
        %dma_start3A_357 = arith.constant 0 : i32
        %dma_start3A_358 = tpu.memref_slice %arg2[%dma_start3A_356, %dma_start3A_357] : memref<10000x64xi32, #tpu.memory_space<hbm>> -> memref<10000x64xi32, #tpu.memory_space<hbm>>
        %dma_start3A_359 = tpu.memref_slice %arg14[%dma_start3A_350] : memref<5x!tpu.dma_semaphore, #tpu.memory_space<semaphore_mem>> -> memref<1x!tpu.dma_semaphore, #tpu.memory_space<semaphore_mem>>
        %dma_start3A_360 = tpu.memref_squeeze %dma_start3A_359 : memref<1x!tpu.dma_semaphore, #tpu.memory_space<semaphore_mem>> -> memref<!tpu.dma_semaphore, #tpu.memory_space<semaphore_mem>>
        tpu.enqueue_indirect_dma source(%dma_start3A_358 : memref<10000x64xi32, #tpu.memory_space<hbm>>) target(%dma_start3A_354 : memref<80x64xi32, #tpu.memory_space<vmem>>) offsets(%dma_start3A_355 : memref<80xi32, #tpu.memory_space<vmem>>) semaphore(%dma_start3A_360 : memref<!tpu.dma_semaphore, #tpu.memory_space<semaphore_mem>>)
        %dma_start3A_361 = arith.constant 0 : i32
        %dma_start3A_362 = arith.constant 0 : i32
        %dma_start3A_363 = arith.constant 0 : i32
        %dma_start3A_364 = arith.constant 0 : i32
        %dma_start3A_365 = tpu.memref_slice %arg10[%dma_start3A_361, %dma_start3A_363, %dma_start3A_364] : memref<5x80x64xi32, #tpu.memory_space<vmem>> -> memref<1x80x64xi32, #tpu.memory_space<vmem>>
        %dma_start3A_366 = tpu.memref_squeeze %dma_start3A_365 : memref<1x80x64xi32, #tpu.memory_space<vmem>> -> memref<80x64xi32, #tpu.memory_space<vmem>>
        %dma_start3A_367 = tpu.memref_slice %arg8[%mul3A_348] : memref<10000xi32, #tpu.memory_space<vmem>> -> memref<80xi32, #tpu.memory_space<vmem>>
        %dma_start3A_368 = arith.constant 0 : i32
        %dma_start3A_369 = arith.constant 0 : i32
        %dma_start3A_370 = tpu.memref_slice %arg2[%dma_start3A_368, %dma_start3A_369] : memref<10000x64xi32, #tpu.memory_space<hbm>> -> memref<10000x64xi32, #tpu.memory_space<hbm>>
        %dma_start3A_371 = tpu.memref_slice %arg14[%dma_start3A_362] : memref<5x!tpu.dma_semaphore, #tpu.memory_space<semaphore_mem>> -> memref<1x!tpu.dma_semaphore, #tpu.memory_space<semaphore_mem>>
        %dma_start3A_372 = tpu.memref_squeeze %dma_start3A_371 : memref<1x!tpu.dma_semaphore, #tpu.memory_space<semaphore_mem>> -> memref<!tpu.dma_semaphore, #tpu.memory_space<semaphore_mem>>
        tpu.enqueue_indirect_dma source(%dma_start3A_370 : memref<10000x64xi32, #tpu.memory_space<hbm>>) target(%dma_start3A_366 : memref<80x64xi32, #tpu.memory_space<vmem>>) offsets(%dma_start3A_367 : memref<80xi32, #tpu.memory_space<vmem>>) semaphore(%dma_start3A_372 : memref<!tpu.dma_semaphore, #tpu.memory_space<semaphore_mem>>)
      } else {
      }
      %mul3A_185 = arith.constant 5 : i32
      %mul3A_186 = arith.muli %scan3A_148, %mul3A_185 : i32
      %add3A_187 = arith.constant 1 : i32
      %add3A_188 = arith.addi %mul3A_186, %add3A_187 : i32
      %dma_wait3A_189 = arith.constant 1 : i32
      %dma_wait3A_190 = arith.constant 1 : i32
      %dma_wait3A_191 = arith.constant 0 : i32
      %dma_wait3A_192 = arith.constant 0 : i32
      %dma_wait3A_193 = tpu.memref_slice %arg9[%dma_wait3A_189, %dma_wait3A_191, %dma_wait3A_192] : memref<5x80x64xi32, #tpu.memory_space<vmem>> -> memref<1x80x64xi32, #tpu.memory_space<vmem>>
      %dma_wait3A_194 = tpu.memref_squeeze %dma_wait3A_193 : memref<1x80x64xi32, #tpu.memory_space<vmem>> -> memref<80x64xi32, #tpu.memory_space<vmem>>
      %dma_wait3A_195 = arith.constant 0 : i32
      %dma_wait3A_196 = tpu.memref_slice %arg7[%dma_wait3A_195] : memref<10000xi32, #tpu.memory_space<vmem>> -> memref<80xi32, #tpu.memory_space<vmem>>
      %dma_wait3A_197 = arith.constant 0 : i32
      %dma_wait3A_198 = arith.constant 0 : i32
      %dma_wait3A_199 = tpu.memref_slice %arg2[%dma_wait3A_197, %dma_wait3A_198] : memref<10000x64xi32, #tpu.memory_space<hbm>> -> memref<10000x64xi32, #tpu.memory_space<hbm>>
      %dma_wait3A_200 = tpu.memref_slice %arg14[%dma_wait3A_190] : memref<5x!tpu.dma_semaphore, #tpu.memory_space<semaphore_mem>> -> memref<1x!tpu.dma_semaphore, #tpu.memory_space<semaphore_mem>>
      %dma_wait3A_201 = tpu.memref_squeeze %dma_wait3A_200 : memref<1x!tpu.dma_semaphore, #tpu.memory_space<semaphore_mem>> -> memref<!tpu.dma_semaphore, #tpu.memory_space<semaphore_mem>>
      tpu.wait_indirect_dma semaphore(%dma_wait3A_201 : memref<!tpu.dma_semaphore, #tpu.memory_space<semaphore_mem>>) src(%dma_wait3A_199 : memref<10000x64xi32, #tpu.memory_space<hbm>>) dst(%dma_wait3A_194 : memref<80x64xi32, #tpu.memory_space<vmem>>)
      %dma_wait3A_202 = arith.constant 1 : i32
      %dma_wait3A_203 = arith.constant 1 : i32
      %dma_wait3A_204 = arith.constant 0 : i32
      %dma_wait3A_205 = arith.constant 0 : i32
      %dma_wait3A_206 = tpu.memref_slice %arg10[%dma_wait3A_202, %dma_wait3A_204, %dma_wait3A_205] : memref<5x80x64xi32, #tpu.memory_space<vmem>> -> memref<1x80x64xi32, #tpu.memory_space<vmem>>
      %dma_wait3A_207 = tpu.memref_squeeze %dma_wait3A_206 : memref<1x80x64xi32, #tpu.memory_space<vmem>> -> memref<80x64xi32, #tpu.memory_space<vmem>>
      %dma_wait3A_208 = arith.constant 0 : i32
      %dma_wait3A_209 = tpu.memref_slice %arg8[%dma_wait3A_208] : memref<10000xi32, #tpu.memory_space<vmem>> -> memref<80xi32, #tpu.memory_space<vmem>>
      %dma_wait3A_210 = arith.constant 0 : i32
      %dma_wait3A_211 = arith.constant 0 : i32
      %dma_wait3A_212 = tpu.memref_slice %arg2[%dma_wait3A_210, %dma_wait3A_211] : memref<10000x64xi32, #tpu.memory_space<hbm>> -> memref<10000x64xi32, #tpu.memory_space<hbm>>
      %dma_wait3A_213 = tpu.memref_slice %arg14[%dma_wait3A_203] : memref<5x!tpu.dma_semaphore, #tpu.memory_space<semaphore_mem>> -> memref<1x!tpu.dma_semaphore, #tpu.memory_space<semaphore_mem>>
      %dma_wait3A_214 = tpu.memref_squeeze %dma_wait3A_213 : memref<1x!tpu.dma_semaphore, #tpu.memory_space<semaphore_mem>> -> memref<!tpu.dma_semaphore, #tpu.memory_space<semaphore_mem>>
      tpu.wait_indirect_dma semaphore(%dma_wait3A_214 : memref<!tpu.dma_semaphore, #tpu.memory_space<semaphore_mem>>) src(%dma_wait3A_212 : memref<10000x64xi32, #tpu.memory_space<hbm>>) dst(%dma_wait3A_207 : memref<80x64xi32, #tpu.memory_space<vmem>>)
      %mul3A_215 = arith.constant 80 : i32
      %mul3A_216 = arith.muli %add3A_188, %mul3A_215 : i32
      %parallel_loop3A_217 = arith.constant 0 : i32
      %parallel_loop3A_218 = arith.constant 5 : i32
      %parallel_loop3A_219 = arith.constant 1 : i32
      scf.for %parallel_loop3A_345 = %parallel_loop3A_217 to %parallel_loop3A_218 step %parallel_loop3A_219  : i32 {
        %parallel_loop3A_346 = arith.constant 16 : i32
        %parallel_loop3A_347 = arith.muli %parallel_loop3A_345, %parallel_loop3A_346 : i32
        %parallel_loop3A_348 = vector.broadcast %parallel_loop3A_347 : i32 to vector<16xi32>
        %parallel_loop3A_349 = arith.addi %parallel_loop3A_348, %iota3A : vector<16xi32>
        %parallel_loop3A_350 = arith.constant 0.000000e+00 : f32
        %parallel_loop3A_351 = vector.broadcast %parallel_loop3A_350 : f32 to vector<16xf32>
        %parallel_loop3A_352 = arith.constant 0 : i32
        %parallel_loop3A_353 = arith.constant 16 : i32
        %parallel_loop3A_354 = arith.constant 1 : i32
        %parallel_loop3A_355 = scf.for %parallel_loop3A_374 = %parallel_loop3A_352 to %parallel_loop3A_353 step %parallel_loop3A_354 iter_args(%parallel_loop3A_375 = %parallel_loop3A_351) -> (vector<16xf32>)  : i32 {
          %parallel_loop3A_376 = arith.constant 4 : i32
          %parallel_loop3A_377 = arith.muli %parallel_loop3A_374, %parallel_loop3A_376 : i32
          %parallel_loop3A_378 = vector.broadcast %parallel_loop3A_377 : i32 to vector<16xi32>
          %parallel_loop3A_379 = arith.addi %iota3A, %parallel_loop3A_378 : vector<16xi32>
          %parallel_loop3A_380 = arith.constant 0 : i32
          %parallel_loop3A_381 = vector.broadcast %parallel_loop3A_380 : i32 to vector<16xi32>
          %parallel_loop3A_382 = arith.addi %parallel_loop3A_379, %parallel_loop3A_381 : vector<16xi32>
          %parallel_loop3A_383 = arith.constant 63 : i32
          %parallel_loop3A_384 = vector.broadcast %parallel_loop3A_383 : i32 to vector<16xi32>
          %parallel_loop3A_385 = arith.andi %parallel_loop3A_382, %parallel_loop3A_384 : vector<16xi32>
          %parallel_loop3A_386 = arith.constant 1 : i32
          %parallel_loop3A_387 = arith.constant 0 : i32
          %parallel_loop3A_388 = arith.constant 0 : i32
          %parallel_loop3A_389 = tpu.memref_slice %arg9[%parallel_loop3A_386, %parallel_loop3A_387, %parallel_loop3A_388] : memref<5x80x64xi32, #tpu.memory_space<vmem>> -> memref<1x80x64xi32, #tpu.memory_space<vmem>>
          %parallel_loop3A_390 = tpu.memref_squeeze %parallel_loop3A_389 : memref<1x80x64xi32, #tpu.memory_space<vmem>> -> memref<80x64xi32, #tpu.memory_space<vmem>>
          %parallel_loop3A_391 = tpu.vector_load_idx %parallel_loop3A_390[%parallel_loop3A_349, %parallel_loop3A_385] : memref<80x64xi32, #tpu.memory_space<vmem>>[vector<16xi32>, vector<16xi32>], vector<16xi32>,
          %parallel_loop3A_392 = arith.constant 1 : i32
          %parallel_loop3A_393 = arith.constant 0 : i32
          %parallel_loop3A_394 = arith.constant 0 : i32
          %parallel_loop3A_395 = tpu.memref_slice %arg10[%parallel_loop3A_392, %parallel_loop3A_393, %parallel_loop3A_394] : memref<5x80x64xi32, #tpu.memory_space<vmem>> -> memref<1x80x64xi32, #tpu.memory_space<vmem>>
          %parallel_loop3A_396 = tpu.memref_squeeze %parallel_loop3A_395 : memref<1x80x64xi32, #tpu.memory_space<vmem>> -> memref<80x64xi32, #tpu.memory_space<vmem>>
          %parallel_loop3A_397 = tpu.vector_load_idx %parallel_loop3A_396[%parallel_loop3A_349, %parallel_loop3A_385] : memref<80x64xi32, #tpu.memory_space<vmem>>[vector<16xi32>, vector<16xi32>], vector<16xi32>,
          %parallel_loop3A_398 = vector.bitcast %parallel_loop3A_391 : vector<16xi32> to vector<32xbf16>
          %parallel_loop3A_399 = vector.bitcast %parallel_loop3A_397 : vector<16xi32> to vector<32xbf16>
          %parallel_loop3A_400 = arith.mulf %parallel_loop3A_398, %parallel_loop3A_399 : vector<32xbf16>
          %parallel_loop3A_401 = arith.constant 4 : i32
          %parallel_loop3A_402 = arith.muli %parallel_loop3A_374, %parallel_loop3A_401 : i32
          %parallel_loop3A_403 = vector.broadcast %parallel_loop3A_402 : i32 to vector<16xi32>
          %parallel_loop3A_404 = arith.addi %iota3A, %parallel_loop3A_403 : vector<16xi32>
          %parallel_loop3A_405 = arith.constant 1 : i32
          %parallel_loop3A_406 = vector.broadcast %parallel_loop3A_405 : i32 to vector<16xi32>
          %parallel_loop3A_407 = arith.addi %parallel_loop3A_404, %parallel_loop3A_406 : vector<16xi32>
          %parallel_loop3A_408 = arith.constant 63 : i32
          %parallel_loop3A_409 = vector.broadcast %parallel_loop3A_408 : i32 to vector<16xi32>
          %parallel_loop3A_410 = arith.andi %parallel_loop3A_407, %parallel_loop3A_409 : vector<16xi32>
          %parallel_loop3A_411 = arith.constant 1 : i32
          %parallel_loop3A_412 = arith.constant 0 : i32
          %parallel_loop3A_413 = arith.constant 0 : i32
          %parallel_loop3A_414 = tpu.memref_slice %arg9[%parallel_loop3A_411, %parallel_loop3A_412, %parallel_loop3A_413] : memref<5x80x64xi32, #tpu.memory_space<vmem>> -> memref<1x80x64xi32, #tpu.memory_space<vmem>>
          %parallel_loop3A_415 = tpu.memref_squeeze %parallel_loop3A_414 : memref<1x80x64xi32, #tpu.memory_space<vmem>> -> memref<80x64xi32, #tpu.memory_space<vmem>>
          %parallel_loop3A_416 = tpu.vector_load_idx %parallel_loop3A_415[%parallel_loop3A_349, %parallel_loop3A_410] : memref<80x64xi32, #tpu.memory_space<vmem>>[vector<16xi32>, vector<16xi32>], vector<16xi32>,
          %parallel_loop3A_417 = arith.constant 1 : i32
          %parallel_loop3A_418 = arith.constant 0 : i32
          %parallel_loop3A_419 = arith.constant 0 : i32
          %parallel_loop3A_420 = tpu.memref_slice %arg10[%parallel_loop3A_417, %parallel_loop3A_418, %parallel_loop3A_419] : memref<5x80x64xi32, #tpu.memory_space<vmem>> -> memref<1x80x64xi32, #tpu.memory_space<vmem>>
          %parallel_loop3A_421 = tpu.memref_squeeze %parallel_loop3A_420 : memref<1x80x64xi32, #tpu.memory_space<vmem>> -> memref<80x64xi32, #tpu.memory_space<vmem>>
          %parallel_loop3A_422 = tpu.vector_load_idx %parallel_loop3A_421[%parallel_loop3A_349, %parallel_loop3A_410] : memref<80x64xi32, #tpu.memory_space<vmem>>[vector<16xi32>, vector<16xi32>], vector<16xi32>,
          %parallel_loop3A_423 = vector.bitcast %parallel_loop3A_416 : vector<16xi32> to vector<32xbf16>
          %parallel_loop3A_424 = vector.bitcast %parallel_loop3A_422 : vector<16xi32> to vector<32xbf16>
          %parallel_loop3A_425 = arith.mulf %parallel_loop3A_423, %parallel_loop3A_424 : vector<32xbf16>
          %parallel_loop3A_426 = arith.addf %parallel_loop3A_400, %parallel_loop3A_425 : vector<32xbf16>
          %parallel_loop3A_427 = arith.constant 4 : i32
          %parallel_loop3A_428 = arith.muli %parallel_loop3A_374, %parallel_loop3A_427 : i32
          %parallel_loop3A_429 = vector.broadcast %parallel_loop3A_428 : i32 to vector<16xi32>
          %parallel_loop3A_430 = arith.addi %iota3A, %parallel_loop3A_429 : vector<16xi32>
          %parallel_loop3A_431 = arith.constant 2 : i32
          %parallel_loop3A_432 = vector.broadcast %parallel_loop3A_431 : i32 to vector<16xi32>
          %parallel_loop3A_433 = arith.addi %parallel_loop3A_430, %parallel_loop3A_432 : vector<16xi32>
          %parallel_loop3A_434 = arith.constant 63 : i32
          %parallel_loop3A_435 = vector.broadcast %parallel_loop3A_434 : i32 to vector<16xi32>
          %parallel_loop3A_436 = arith.andi %parallel_loop3A_433, %parallel_loop3A_435 : vector<16xi32>
          %parallel_loop3A_437 = arith.constant 1 : i32
          %parallel_loop3A_438 = arith.constant 0 : i32
          %parallel_loop3A_439 = arith.constant 0 : i32
          %parallel_loop3A_440 = tpu.memref_slice %arg9[%parallel_loop3A_437, %parallel_loop3A_438, %parallel_loop3A_439] : memref<5x80x64xi32, #tpu.memory_space<vmem>> -> memref<1x80x64xi32, #tpu.memory_space<vmem>>
          %parallel_loop3A_441 = tpu.memref_squeeze %parallel_loop3A_440 : memref<1x80x64xi32, #tpu.memory_space<vmem>> -> memref<80x64xi32, #tpu.memory_space<vmem>>
          %parallel_loop3A_442 = tpu.vector_load_idx %parallel_loop3A_441[%parallel_loop3A_349, %parallel_loop3A_436] : memref<80x64xi32, #tpu.memory_space<vmem>>[vector<16xi32>, vector<16xi32>], vector<16xi32>,
          %parallel_loop3A_443 = arith.constant 1 : i32
          %parallel_loop3A_444 = arith.constant 0 : i32
          %parallel_loop3A_445 = arith.constant 0 : i32
          %parallel_loop3A_446 = tpu.memref_slice %arg10[%parallel_loop3A_443, %parallel_loop3A_444, %parallel_loop3A_445] : memref<5x80x64xi32, #tpu.memory_space<vmem>> -> memref<1x80x64xi32, #tpu.memory_space<vmem>>
          %parallel_loop3A_447 = tpu.memref_squeeze %parallel_loop3A_446 : memref<1x80x64xi32, #tpu.memory_space<vmem>> -> memref<80x64xi32, #tpu.memory_space<vmem>>
          %parallel_loop3A_448 = tpu.vector_load_idx %parallel_loop3A_447[%parallel_loop3A_349, %parallel_loop3A_436] : memref<80x64xi32, #tpu.memory_space<vmem>>[vector<16xi32>, vector<16xi32>], vector<16xi32>,
          %parallel_loop3A_449 = vector.bitcast %parallel_loop3A_442 : vector<16xi32> to vector<32xbf16>
          %parallel_loop3A_450 = vector.bitcast %parallel_loop3A_448 : vector<16xi32> to vector<32xbf16>
          %parallel_loop3A_451 = arith.mulf %parallel_loop3A_449, %parallel_loop3A_450 : vector<32xbf16>
          %parallel_loop3A_452 = arith.addf %parallel_loop3A_426, %parallel_loop3A_451 : vector<32xbf16>
          %parallel_loop3A_453 = arith.constant 4 : i32
          %parallel_loop3A_454 = arith.muli %parallel_loop3A_374, %parallel_loop3A_453 : i32
          %parallel_loop3A_455 = vector.broadcast %parallel_loop3A_454 : i32 to vector<16xi32>
          %parallel_loop3A_456 = arith.addi %iota3A, %parallel_loop3A_455 : vector<16xi32>
          %parallel_loop3A_457 = arith.constant 3 : i32
          %parallel_loop3A_458 = vector.broadcast %parallel_loop3A_457 : i32 to vector<16xi32>
          %parallel_loop3A_459 = arith.addi %parallel_loop3A_456, %parallel_loop3A_458 : vector<16xi32>
          %parallel_loop3A_460 = arith.constant 63 : i32
          %parallel_loop3A_461 = vector.broadcast %parallel_loop3A_460 : i32 to vector<16xi32>
          %parallel_loop3A_462 = arith.andi %parallel_loop3A_459, %parallel_loop3A_461 : vector<16xi32>
          %parallel_loop3A_463 = arith.constant 1 : i32
          %parallel_loop3A_464 = arith.constant 0 : i32
          %parallel_loop3A_465 = arith.constant 0 : i32
          %parallel_loop3A_466 = tpu.memref_slice %arg9[%parallel_loop3A_463, %parallel_loop3A_464, %parallel_loop3A_465] : memref<5x80x64xi32, #tpu.memory_space<vmem>> -> memref<1x80x64xi32, #tpu.memory_space<vmem>>
          %parallel_loop3A_467 = tpu.memref_squeeze %parallel_loop3A_466 : memref<1x80x64xi32, #tpu.memory_space<vmem>> -> memref<80x64xi32, #tpu.memory_space<vmem>>
          %parallel_loop3A_468 = tpu.vector_load_idx %parallel_loop3A_467[%parallel_loop3A_349, %parallel_loop3A_462] : memref<80x64xi32, #tpu.memory_space<vmem>>[vector<16xi32>, vector<16xi32>], vector<16xi32>,
          %parallel_loop3A_469 = arith.constant 1 : i32
          %parallel_loop3A_470 = arith.constant 0 : i32
          %parallel_loop3A_471 = arith.constant 0 : i32
          %parallel_loop3A_472 = tpu.memref_slice %arg10[%parallel_loop3A_469, %parallel_loop3A_470, %parallel_loop3A_471] : memref<5x80x64xi32, #tpu.memory_space<vmem>> -> memref<1x80x64xi32, #tpu.memory_space<vmem>>
          %parallel_loop3A_473 = tpu.memref_squeeze %parallel_loop3A_472 : memref<1x80x64xi32, #tpu.memory_space<vmem>> -> memref<80x64xi32, #tpu.memory_space<vmem>>
          %parallel_loop3A_474 = tpu.vector_load_idx %parallel_loop3A_473[%parallel_loop3A_349, %parallel_loop3A_462] : memref<80x64xi32, #tpu.memory_space<vmem>>[vector<16xi32>, vector<16xi32>], vector<16xi32>,
          %parallel_loop3A_475 = vector.bitcast %parallel_loop3A_468 : vector<16xi32> to vector<32xbf16>
          %parallel_loop3A_476 = vector.bitcast %parallel_loop3A_474 : vector<16xi32> to vector<32xbf16>
          %parallel_loop3A_477 = arith.mulf %parallel_loop3A_475, %parallel_loop3A_476 : vector<32xbf16>
          %parallel_loop3A_478 = arith.addf %parallel_loop3A_452, %parallel_loop3A_477 : vector<32xbf16>
          %parallel_loop3A_479 = tpu.unpack_subelements %parallel_loop3A_478, 0 {pack_format = #tpu.pack_format<interleaved>} : vector<32xbf16> -> vector<16xf32>
          %parallel_loop3A_480 = tpu.unpack_subelements %parallel_loop3A_478, 1 {pack_format = #tpu.pack_format<interleaved>} : vector<32xbf16> -> vector<16xf32>
          %parallel_loop3A_481 = arith.addf %parallel_loop3A_375, %parallel_loop3A_479 : vector<16xf32>
          %parallel_loop3A_482 = arith.addf %parallel_loop3A_481, %parallel_loop3A_480 : vector<16xf32>
          scf.yield %parallel_loop3A_482 : vector<16xf32>
        } {sc.loop_unroll_factor = 1 : i64, sc.parallel_access}
        %parallel_loop3A_356 = arith.constant 16 : i32
        %parallel_loop3A_357 = arith.muli %parallel_loop3A_345, %parallel_loop3A_356 : i32
        %parallel_loop3A_358 = arith.addi %mul3A_216, %parallel_loop3A_357 : i32
        %parallel_loop3A_359 = arith.index_cast %parallel_loop3A_358 : i32 to index
        %parallel_loop3A_360 = tpu.vector_load %arg11[%parallel_loop3A_359] {strides = array<i32>} : memref<10000xf32, #tpu.memory_space<vmem>>, vector<16xf32>,
        %parallel_loop3A_361 = arith.constant 1.000000e+00 : f32
        %parallel_loop3A_362 = vector.broadcast %parallel_loop3A_361 : f32 to vector<16xf32>
        %parallel_loop3A_363 = arith.addf %parallel_loop3A_355, %parallel_loop3A_362 : vector<16xf32>
        %parallel_loop3A_364 = arith.constant 5.000000e-01 : f32
        %parallel_loop3A_365 = vector.broadcast %parallel_loop3A_364 : f32 to vector<16xf32>
        %parallel_loop3A_366 = arith.mulf %parallel_loop3A_363, %parallel_loop3A_365 : vector<16xf32>
        %parallel_loop3A_367 = arith.subf %parallel_loop3A_366, %parallel_loop3A_360 : vector<16xf32>
        %parallel_loop3A_368 = arith.mulf %parallel_loop3A_367, %parallel_loop3A_367 : vector<16xf32>
        %parallel_loop3A_369 = arith.constant 16 : i32
        %parallel_loop3A_370 = arith.muli %parallel_loop3A_345, %parallel_loop3A_369 : i32
        %parallel_loop3A_371 = arith.addi %mul3A_216, %parallel_loop3A_370 : i32
        %parallel_loop3A_372 = arith.index_cast %parallel_loop3A_371 : i32 to index
        %parallel_loop3A_373 = tpu.vector_load %arg12[%parallel_loop3A_372] {strides = array<i32>} : memref<10000xf32, #tpu.memory_space<vmem>>, vector<16xf32>,
        tpu.vector_store %arg12[%parallel_loop3A_372], %parallel_loop3A_368 {strides = array<i32>} : memref<10000xf32, #tpu.memory_space<vmem>>, vector<16xf32>,
      } {sc.loop_unroll_factor = 1 : i64, sc.parallel_access}
      %lt3A_220 = arith.constant 24 : i32
      %lt3A_221 = arith.cmpi slt, %scan3A_148, %lt3A_220 : i32
      %convert_element_type3A_222 = arith.extui %lt3A_221 : i1 to i32
      %cond3A_223 = arith.constant 0 : i32
      %cond3A_224 = arith.cmpi ne, %convert_element_type3A_222, %cond3A_223 : i32
      scf.if %cond3A_224 {
        %add3A_345 = arith.constant 5 : i32
        %add3A_346 = arith.addi %add3A_188, %add3A_345 : i32
        %mul3A_347 = arith.constant 80 : i32
        %mul3A_348 = arith.muli %add3A_346, %mul3A_347 : i32
        %dma_start3A_349 = arith.constant 1 : i32
        %dma_start3A_350 = arith.constant 1 : i32
        %dma_start3A_351 = arith.constant 0 : i32
        %dma_start3A_352 = arith.constant 0 : i32
        %dma_start3A_353 = tpu.memref_slice %arg9[%dma_start3A_349, %dma_start3A_351, %dma_start3A_352] : memref<5x80x64xi32, #tpu.memory_space<vmem>> -> memref<1x80x64xi32, #tpu.memory_space<vmem>>
        %dma_start3A_354 = tpu.memref_squeeze %dma_start3A_353 : memref<1x80x64xi32, #tpu.memory_space<vmem>> -> memref<80x64xi32, #tpu.memory_space<vmem>>
        %dma_start3A_355 = tpu.memref_slice %arg7[%mul3A_348] : memref<10000xi32, #tpu.memory_space<vmem>> -> memref<80xi32, #tpu.memory_space<vmem>>
        %dma_start3A_356 = arith.constant 0 : i32
        %dma_start3A_357 = arith.constant 0 : i32
        %dma_start3A_358 = tpu.memref_slice %arg2[%dma_start3A_356, %dma_start3A_357] : memref<10000x64xi32, #tpu.memory_space<hbm>> -> memref<10000x64xi32, #tpu.memory_space<hbm>>
        %dma_start3A_359 = tpu.memref_slice %arg14[%dma_start3A_350] : memref<5x!tpu.dma_semaphore, #tpu.memory_space<semaphore_mem>> -> memref<1x!tpu.dma_semaphore, #tpu.memory_space<semaphore_mem>>
        %dma_start3A_360 = tpu.memref_squeeze %dma_start3A_359 : memref<1x!tpu.dma_semaphore, #tpu.memory_space<semaphore_mem>> -> memref<!tpu.dma_semaphore, #tpu.memory_space<semaphore_mem>>
        tpu.enqueue_indirect_dma source(%dma_start3A_358 : memref<10000x64xi32, #tpu.memory_space<hbm>>) target(%dma_start3A_354 : memref<80x64xi32, #tpu.memory_space<vmem>>) offsets(%dma_start3A_355 : memref<80xi32, #tpu.memory_space<vmem>>) semaphore(%dma_start3A_360 : memref<!tpu.dma_semaphore, #tpu.memory_space<semaphore_mem>>)
        %dma_start3A_361 = arith.constant 1 : i32
        %dma_start3A_362 = arith.constant 1 : i32
        %dma_start3A_363 = arith.constant 0 : i32
        %dma_start3A_364 = arith.constant 0 : i32
        %dma_start3A_365 = tpu.memref_slice %arg10[%dma_start3A_361, %dma_start3A_363, %dma_start3A_364] : memref<5x80x64xi32, #tpu.memory_space<vmem>> -> memref<1x80x64xi32, #tpu.memory_space<vmem>>
        %dma_start3A_366 = tpu.memref_squeeze %dma_start3A_365 : memref<1x80x64xi32, #tpu.memory_space<vmem>> -> memref<80x64xi32, #tpu.memory_space<vmem>>
        %dma_start3A_367 = tpu.memref_slice %arg8[%mul3A_348] : memref<10000xi32, #tpu.memory_space<vmem>> -> memref<80xi32, #tpu.memory_space<vmem>>
        %dma_start3A_368 = arith.constant 0 : i32
        %dma_start3A_369 = arith.constant 0 : i32
        %dma_start3A_370 = tpu.memref_slice %arg2[%dma_start3A_368, %dma_start3A_369] : memref<10000x64xi32, #tpu.memory_space<hbm>> -> memref<10000x64xi32, #tpu.memory_space<hbm>>
        %dma_start3A_371 = tpu.memref_slice %arg14[%dma_start3A_362] : memref<5x!tpu.dma_semaphore, #tpu.memory_space<semaphore_mem>> -> memref<1x!tpu.dma_semaphore, #tpu.memory_space<semaphore_mem>>
        %dma_start3A_372 = tpu.memref_squeeze %dma_start3A_371 : memref<1x!tpu.dma_semaphore, #tpu.memory_space<semaphore_mem>> -> memref<!tpu.dma_semaphore, #tpu.memory_space<semaphore_mem>>
        tpu.enqueue_indirect_dma source(%dma_start3A_370 : memref<10000x64xi32, #tpu.memory_space<hbm>>) target(%dma_start3A_366 : memref<80x64xi32, #tpu.memory_space<vmem>>) offsets(%dma_start3A_367 : memref<80xi32, #tpu.memory_space<vmem>>) semaphore(%dma_start3A_372 : memref<!tpu.dma_semaphore, #tpu.memory_space<semaphore_mem>>)
      } else {
      }
      %mul3A_225 = arith.constant 5 : i32
      %mul3A_226 = arith.muli %scan3A_148, %mul3A_225 : i32
      %add3A_227 = arith.constant 2 : i32
      %add3A_228 = arith.addi %mul3A_226, %add3A_227 : i32
      %dma_wait3A_229 = arith.constant 2 : i32
      %dma_wait3A_230 = arith.constant 2 : i32
      %dma_wait3A_231 = arith.constant 0 : i32
      %dma_wait3A_232 = arith.constant 0 : i32
      %dma_wait3A_233 = tpu.memref_slice %arg9[%dma_wait3A_229, %dma_wait3A_231, %dma_wait3A_232] : memref<5x80x64xi32, #tpu.memory_space<vmem>> -> memref<1x80x64xi32, #tpu.memory_space<vmem>>
      %dma_wait3A_234 = tpu.memref_squeeze %dma_wait3A_233 : memref<1x80x64xi32, #tpu.memory_space<vmem>> -> memref<80x64xi32, #tpu.memory_space<vmem>>
      %dma_wait3A_235 = arith.constant 0 : i32
      %dma_wait3A_236 = tpu.memref_slice %arg7[%dma_wait3A_235] : memref<10000xi32, #tpu.memory_space<vmem>> -> memref<80xi32, #tpu.memory_space<vmem>>
      %dma_wait3A_237 = arith.constant 0 : i32
      %dma_wait3A_238 = arith.constant 0 : i32
      %dma_wait3A_239 = tpu.memref_slice %arg2[%dma_wait3A_237, %dma_wait3A_238] : memref<10000x64xi32, #tpu.memory_space<hbm>> -> memref<10000x64xi32, #tpu.memory_space<hbm>>
      %dma_wait3A_240 = tpu.memref_slice %arg14[%dma_wait3A_230] : memref<5x!tpu.dma_semaphore, #tpu.memory_space<semaphore_mem>> -> memref<1x!tpu.dma_semaphore, #tpu.memory_space<semaphore_mem>>
      %dma_wait3A_241 = tpu.memref_squeeze %dma_wait3A_240 : memref<1x!tpu.dma_semaphore, #tpu.memory_space<semaphore_mem>> -> memref<!tpu.dma_semaphore, #tpu.memory_space<semaphore_mem>>
      tpu.wait_indirect_dma semaphore(%dma_wait3A_241 : memref<!tpu.dma_semaphore, #tpu.memory_space<semaphore_mem>>) src(%dma_wait3A_239 : memref<10000x64xi32, #tpu.memory_space<hbm>>) dst(%dma_wait3A_234 : memref<80x64xi32, #tpu.memory_space<vmem>>)
      %dma_wait3A_242 = arith.constant 2 : i32
      %dma_wait3A_243 = arith.constant 2 : i32
      %dma_wait3A_244 = arith.constant 0 : i32
      %dma_wait3A_245 = arith.constant 0 : i32
      %dma_wait3A_246 = tpu.memref_slice %arg10[%dma_wait3A_242, %dma_wait3A_244, %dma_wait3A_245] : memref<5x80x64xi32, #tpu.memory_space<vmem>> -> memref<1x80x64xi32, #tpu.memory_space<vmem>>
      %dma_wait3A_247 = tpu.memref_squeeze %dma_wait3A_246 : memref<1x80x64xi32, #tpu.memory_space<vmem>> -> memref<80x64xi32, #tpu.memory_space<vmem>>
      %dma_wait3A_248 = arith.constant 0 : i32
      %dma_wait3A_249 = tpu.memref_slice %arg8[%dma_wait3A_248] : memref<10000xi32, #tpu.memory_space<vmem>> -> memref<80xi32, #tpu.memory_space<vmem>>
      %dma_wait3A_250 = arith.constant 0 : i32
      %dma_wait3A_251 = arith.constant 0 : i32
      %dma_wait3A_252 = tpu.memref_slice %arg2[%dma_wait3A_250, %dma_wait3A_251] : memref<10000x64xi32, #tpu.memory_space<hbm>> -> memref<10000x64xi32, #tpu.memory_space<hbm>>
      %dma_wait3A_253 = tpu.memref_slice %arg14[%dma_wait3A_243] : memref<5x!tpu.dma_semaphore, #tpu.memory_space<semaphore_mem>> -> memref<1x!tpu.dma_semaphore, #tpu.memory_space<semaphore_mem>>
      %dma_wait3A_254 = tpu.memref_squeeze %dma_wait3A_253 : memref<1x!tpu.dma_semaphore, #tpu.memory_space<semaphore_mem>> -> memref<!tpu.dma_semaphore, #tpu.memory_space<semaphore_mem>>
      tpu.wait_indirect_dma semaphore(%dma_wait3A_254 : memref<!tpu.dma_semaphore, #tpu.memory_space<semaphore_mem>>) src(%dma_wait3A_252 : memref<10000x64xi32, #tpu.memory_space<hbm>>) dst(%dma_wait3A_247 : memref<80x64xi32, #tpu.memory_space<vmem>>)
      %mul3A_255 = arith.constant 80 : i32
      %mul3A_256 = arith.muli %add3A_228, %mul3A_255 : i32
      %parallel_loop3A_257 = arith.constant 0 : i32
      %parallel_loop3A_258 = arith.constant 5 : i32
      %parallel_loop3A_259 = arith.constant 1 : i32
      scf.for %parallel_loop3A_345 = %parallel_loop3A_257 to %parallel_loop3A_258 step %parallel_loop3A_259  : i32 {
        %parallel_loop3A_346 = arith.constant 16 : i32
        %parallel_loop3A_347 = arith.muli %parallel_loop3A_345, %parallel_loop3A_346 : i32
        %parallel_loop3A_348 = vector.broadcast %parallel_loop3A_347 : i32 to vector<16xi32>
        %parallel_loop3A_349 = arith.addi %parallel_loop3A_348, %iota3A : vector<16xi32>
        %parallel_loop3A_350 = arith.constant 0.000000e+00 : f32
        %parallel_loop3A_351 = vector.broadcast %parallel_loop3A_350 : f32 to vector<16xf32>
        %parallel_loop3A_352 = arith.constant 0 : i32
        %parallel_loop3A_353 = arith.constant 16 : i32
        %parallel_loop3A_354 = arith.constant 1 : i32
        %parallel_loop3A_355 = scf.for %parallel_loop3A_374 = %parallel_loop3A_352 to %parallel_loop3A_353 step %parallel_loop3A_354 iter_args(%parallel_loop3A_375 = %parallel_loop3A_351) -> (vector<16xf32>)  : i32 {
          %parallel_loop3A_376 = arith.constant 4 : i32
          %parallel_loop3A_377 = arith.muli %parallel_loop3A_374, %parallel_loop3A_376 : i32
          %parallel_loop3A_378 = vector.broadcast %parallel_loop3A_377 : i32 to vector<16xi32>
          %parallel_loop3A_379 = arith.addi %iota3A, %parallel_loop3A_378 : vector<16xi32>
          %parallel_loop3A_380 = arith.constant 0 : i32
          %parallel_loop3A_381 = vector.broadcast %parallel_loop3A_380 : i32 to vector<16xi32>
          %parallel_loop3A_382 = arith.addi %parallel_loop3A_379, %parallel_loop3A_381 : vector<16xi32>
          %parallel_loop3A_383 = arith.constant 63 : i32
          %parallel_loop3A_384 = vector.broadcast %parallel_loop3A_383 : i32 to vector<16xi32>
          %parallel_loop3A_385 = arith.andi %parallel_loop3A_382, %parallel_loop3A_384 : vector<16xi32>
          %parallel_loop3A_386 = arith.constant 2 : i32
          %parallel_loop3A_387 = arith.constant 0 : i32
          %parallel_loop3A_388 = arith.constant 0 : i32
          %parallel_loop3A_389 = tpu.memref_slice %arg9[%parallel_loop3A_386, %parallel_loop3A_387, %parallel_loop3A_388] : memref<5x80x64xi32, #tpu.memory_space<vmem>> -> memref<1x80x64xi32, #tpu.memory_space<vmem>>
          %parallel_loop3A_390 = tpu.memref_squeeze %parallel_loop3A_389 : memref<1x80x64xi32, #tpu.memory_space<vmem>> -> memref<80x64xi32, #tpu.memory_space<vmem>>
          %parallel_loop3A_391 = tpu.vector_load_idx %parallel_loop3A_390[%parallel_loop3A_349, %parallel_loop3A_385] : memref<80x64xi32, #tpu.memory_space<vmem>>[vector<16xi32>, vector<16xi32>], vector<16xi32>,
          %parallel_loop3A_392 = arith.constant 2 : i32
          %parallel_loop3A_393 = arith.constant 0 : i32
          %parallel_loop3A_394 = arith.constant 0 : i32
          %parallel_loop3A_395 = tpu.memref_slice %arg10[%parallel_loop3A_392, %parallel_loop3A_393, %parallel_loop3A_394] : memref<5x80x64xi32, #tpu.memory_space<vmem>> -> memref<1x80x64xi32, #tpu.memory_space<vmem>>
          %parallel_loop3A_396 = tpu.memref_squeeze %parallel_loop3A_395 : memref<1x80x64xi32, #tpu.memory_space<vmem>> -> memref<80x64xi32, #tpu.memory_space<vmem>>
          %parallel_loop3A_397 = tpu.vector_load_idx %parallel_loop3A_396[%parallel_loop3A_349, %parallel_loop3A_385] : memref<80x64xi32, #tpu.memory_space<vmem>>[vector<16xi32>, vector<16xi32>], vector<16xi32>,
          %parallel_loop3A_398 = vector.bitcast %parallel_loop3A_391 : vector<16xi32> to vector<32xbf16>
          %parallel_loop3A_399 = vector.bitcast %parallel_loop3A_397 : vector<16xi32> to vector<32xbf16>
          %parallel_loop3A_400 = arith.mulf %parallel_loop3A_398, %parallel_loop3A_399 : vector<32xbf16>
          %parallel_loop3A_401 = arith.constant 4 : i32
          %parallel_loop3A_402 = arith.muli %parallel_loop3A_374, %parallel_loop3A_401 : i32
          %parallel_loop3A_403 = vector.broadcast %parallel_loop3A_402 : i32 to vector<16xi32>
          %parallel_loop3A_404 = arith.addi %iota3A, %parallel_loop3A_403 : vector<16xi32>
          %parallel_loop3A_405 = arith.constant 1 : i32
          %parallel_loop3A_406 = vector.broadcast %parallel_loop3A_405 : i32 to vector<16xi32>
          %parallel_loop3A_407 = arith.addi %parallel_loop3A_404, %parallel_loop3A_406 : vector<16xi32>
          %parallel_loop3A_408 = arith.constant 63 : i32
          %parallel_loop3A_409 = vector.broadcast %parallel_loop3A_408 : i32 to vector<16xi32>
          %parallel_loop3A_410 = arith.andi %parallel_loop3A_407, %parallel_loop3A_409 : vector<16xi32>
          %parallel_loop3A_411 = arith.constant 2 : i32
          %parallel_loop3A_412 = arith.constant 0 : i32
          %parallel_loop3A_413 = arith.constant 0 : i32
          %parallel_loop3A_414 = tpu.memref_slice %arg9[%parallel_loop3A_411, %parallel_loop3A_412, %parallel_loop3A_413] : memref<5x80x64xi32, #tpu.memory_space<vmem>> -> memref<1x80x64xi32, #tpu.memory_space<vmem>>
          %parallel_loop3A_415 = tpu.memref_squeeze %parallel_loop3A_414 : memref<1x80x64xi32, #tpu.memory_space<vmem>> -> memref<80x64xi32, #tpu.memory_space<vmem>>
          %parallel_loop3A_416 = tpu.vector_load_idx %parallel_loop3A_415[%parallel_loop3A_349, %parallel_loop3A_410] : memref<80x64xi32, #tpu.memory_space<vmem>>[vector<16xi32>, vector<16xi32>], vector<16xi32>,
          %parallel_loop3A_417 = arith.constant 2 : i32
          %parallel_loop3A_418 = arith.constant 0 : i32
          %parallel_loop3A_419 = arith.constant 0 : i32
          %parallel_loop3A_420 = tpu.memref_slice %arg10[%parallel_loop3A_417, %parallel_loop3A_418, %parallel_loop3A_419] : memref<5x80x64xi32, #tpu.memory_space<vmem>> -> memref<1x80x64xi32, #tpu.memory_space<vmem>>
          %parallel_loop3A_421 = tpu.memref_squeeze %parallel_loop3A_420 : memref<1x80x64xi32, #tpu.memory_space<vmem>> -> memref<80x64xi32, #tpu.memory_space<vmem>>
          %parallel_loop3A_422 = tpu.vector_load_idx %parallel_loop3A_421[%parallel_loop3A_349, %parallel_loop3A_410] : memref<80x64xi32, #tpu.memory_space<vmem>>[vector<16xi32>, vector<16xi32>], vector<16xi32>,
          %parallel_loop3A_423 = vector.bitcast %parallel_loop3A_416 : vector<16xi32> to vector<32xbf16>
          %parallel_loop3A_424 = vector.bitcast %parallel_loop3A_422 : vector<16xi32> to vector<32xbf16>
          %parallel_loop3A_425 = arith.mulf %parallel_loop3A_423, %parallel_loop3A_424 : vector<32xbf16>
          %parallel_loop3A_426 = arith.addf %parallel_loop3A_400, %parallel_loop3A_425 : vector<32xbf16>
          %parallel_loop3A_427 = arith.constant 4 : i32
          %parallel_loop3A_428 = arith.muli %parallel_loop3A_374, %parallel_loop3A_427 : i32
          %parallel_loop3A_429 = vector.broadcast %parallel_loop3A_428 : i32 to vector<16xi32>
          %parallel_loop3A_430 = arith.addi %iota3A, %parallel_loop3A_429 : vector<16xi32>
          %parallel_loop3A_431 = arith.constant 2 : i32
          %parallel_loop3A_432 = vector.broadcast %parallel_loop3A_431 : i32 to vector<16xi32>
          %parallel_loop3A_433 = arith.addi %parallel_loop3A_430, %parallel_loop3A_432 : vector<16xi32>
          %parallel_loop3A_434 = arith.constant 63 : i32
          %parallel_loop3A_435 = vector.broadcast %parallel_loop3A_434 : i32 to vector<16xi32>
          %parallel_loop3A_436 = arith.andi %parallel_loop3A_433, %parallel_loop3A_435 : vector<16xi32>
          %parallel_loop3A_437 = arith.constant 2 : i32
          %parallel_loop3A_438 = arith.constant 0 : i32
          %parallel_loop3A_439 = arith.constant 0 : i32
          %parallel_loop3A_440 = tpu.memref_slice %arg9[%parallel_loop3A_437, %parallel_loop3A_438, %parallel_loop3A_439] : memref<5x80x64xi32, #tpu.memory_space<vmem>> -> memref<1x80x64xi32, #tpu.memory_space<vmem>>
          %parallel_loop3A_441 = tpu.memref_squeeze %parallel_loop3A_440 : memref<1x80x64xi32, #tpu.memory_space<vmem>> -> memref<80x64xi32, #tpu.memory_space<vmem>>
          %parallel_loop3A_442 = tpu.vector_load_idx %parallel_loop3A_441[%parallel_loop3A_349, %parallel_loop3A_436] : memref<80x64xi32, #tpu.memory_space<vmem>>[vector<16xi32>, vector<16xi32>], vector<16xi32>,
          %parallel_loop3A_443 = arith.constant 2 : i32
          %parallel_loop3A_444 = arith.constant 0 : i32
          %parallel_loop3A_445 = arith.constant 0 : i32
          %parallel_loop3A_446 = tpu.memref_slice %arg10[%parallel_loop3A_443, %parallel_loop3A_444, %parallel_loop3A_445] : memref<5x80x64xi32, #tpu.memory_space<vmem>> -> memref<1x80x64xi32, #tpu.memory_space<vmem>>
          %parallel_loop3A_447 = tpu.memref_squeeze %parallel_loop3A_446 : memref<1x80x64xi32, #tpu.memory_space<vmem>> -> memref<80x64xi32, #tpu.memory_space<vmem>>
          %parallel_loop3A_448 = tpu.vector_load_idx %parallel_loop3A_447[%parallel_loop3A_349, %parallel_loop3A_436] : memref<80x64xi32, #tpu.memory_space<vmem>>[vector<16xi32>, vector<16xi32>], vector<16xi32>,
          %parallel_loop3A_449 = vector.bitcast %parallel_loop3A_442 : vector<16xi32> to vector<32xbf16>
          %parallel_loop3A_450 = vector.bitcast %parallel_loop3A_448 : vector<16xi32> to vector<32xbf16>
          %parallel_loop3A_451 = arith.mulf %parallel_loop3A_449, %parallel_loop3A_450 : vector<32xbf16>
          %parallel_loop3A_452 = arith.addf %parallel_loop3A_426, %parallel_loop3A_451 : vector<32xbf16>
          %parallel_loop3A_453 = arith.constant 4 : i32
          %parallel_loop3A_454 = arith.muli %parallel_loop3A_374, %parallel_loop3A_453 : i32
          %parallel_loop3A_455 = vector.broadcast %parallel_loop3A_454 : i32 to vector<16xi32>
          %parallel_loop3A_456 = arith.addi %iota3A, %parallel_loop3A_455 : vector<16xi32>
          %parallel_loop3A_457 = arith.constant 3 : i32
          %parallel_loop3A_458 = vector.broadcast %parallel_loop3A_457 : i32 to vector<16xi32>
          %parallel_loop3A_459 = arith.addi %parallel_loop3A_456, %parallel_loop3A_458 : vector<16xi32>
          %parallel_loop3A_460 = arith.constant 63 : i32
          %parallel_loop3A_461 = vector.broadcast %parallel_loop3A_460 : i32 to vector<16xi32>
          %parallel_loop3A_462 = arith.andi %parallel_loop3A_459, %parallel_loop3A_461 : vector<16xi32>
          %parallel_loop3A_463 = arith.constant 2 : i32
          %parallel_loop3A_464 = arith.constant 0 : i32
          %parallel_loop3A_465 = arith.constant 0 : i32
          %parallel_loop3A_466 = tpu.memref_slice %arg9[%parallel_loop3A_463, %parallel_loop3A_464, %parallel_loop3A_465] : memref<5x80x64xi32, #tpu.memory_space<vmem>> -> memref<1x80x64xi32, #tpu.memory_space<vmem>>
          %parallel_loop3A_467 = tpu.memref_squeeze %parallel_loop3A_466 : memref<1x80x64xi32, #tpu.memory_space<vmem>> -> memref<80x64xi32, #tpu.memory_space<vmem>>
          %parallel_loop3A_468 = tpu.vector_load_idx %parallel_loop3A_467[%parallel_loop3A_349, %parallel_loop3A_462] : memref<80x64xi32, #tpu.memory_space<vmem>>[vector<16xi32>, vector<16xi32>], vector<16xi32>,
          %parallel_loop3A_469 = arith.constant 2 : i32
          %parallel_loop3A_470 = arith.constant 0 : i32
          %parallel_loop3A_471 = arith.constant 0 : i32
          %parallel_loop3A_472 = tpu.memref_slice %arg10[%parallel_loop3A_469, %parallel_loop3A_470, %parallel_loop3A_471] : memref<5x80x64xi32, #tpu.memory_space<vmem>> -> memref<1x80x64xi32, #tpu.memory_space<vmem>>
          %parallel_loop3A_473 = tpu.memref_squeeze %parallel_loop3A_472 : memref<1x80x64xi32, #tpu.memory_space<vmem>> -> memref<80x64xi32, #tpu.memory_space<vmem>>
          %parallel_loop3A_474 = tpu.vector_load_idx %parallel_loop3A_473[%parallel_loop3A_349, %parallel_loop3A_462] : memref<80x64xi32, #tpu.memory_space<vmem>>[vector<16xi32>, vector<16xi32>], vector<16xi32>,
          %parallel_loop3A_475 = vector.bitcast %parallel_loop3A_468 : vector<16xi32> to vector<32xbf16>
          %parallel_loop3A_476 = vector.bitcast %parallel_loop3A_474 : vector<16xi32> to vector<32xbf16>
          %parallel_loop3A_477 = arith.mulf %parallel_loop3A_475, %parallel_loop3A_476 : vector<32xbf16>
          %parallel_loop3A_478 = arith.addf %parallel_loop3A_452, %parallel_loop3A_477 : vector<32xbf16>
          %parallel_loop3A_479 = tpu.unpack_subelements %parallel_loop3A_478, 0 {pack_format = #tpu.pack_format<interleaved>} : vector<32xbf16> -> vector<16xf32>
          %parallel_loop3A_480 = tpu.unpack_subelements %parallel_loop3A_478, 1 {pack_format = #tpu.pack_format<interleaved>} : vector<32xbf16> -> vector<16xf32>
          %parallel_loop3A_481 = arith.addf %parallel_loop3A_375, %parallel_loop3A_479 : vector<16xf32>
          %parallel_loop3A_482 = arith.addf %parallel_loop3A_481, %parallel_loop3A_480 : vector<16xf32>
          scf.yield %parallel_loop3A_482 : vector<16xf32>
        } {sc.loop_unroll_factor = 1 : i64, sc.parallel_access}
        %parallel_loop3A_356 = arith.constant 16 : i32
        %parallel_loop3A_357 = arith.muli %parallel_loop3A_345, %parallel_loop3A_356 : i32
        %parallel_loop3A_358 = arith.addi %mul3A_256, %parallel_loop3A_357 : i32
        %parallel_loop3A_359 = arith.index_cast %parallel_loop3A_358 : i32 to index
        %parallel_loop3A_360 = tpu.vector_load %arg11[%parallel_loop3A_359] {strides = array<i32>} : memref<10000xf32, #tpu.memory_space<vmem>>, vector<16xf32>,
        %parallel_loop3A_361 = arith.constant 1.000000e+00 : f32
        %parallel_loop3A_362 = vector.broadcast %parallel_loop3A_361 : f32 to vector<16xf32>
        %parallel_loop3A_363 = arith.addf %parallel_loop3A_355, %parallel_loop3A_362 : vector<16xf32>
        %parallel_loop3A_364 = arith.constant 5.000000e-01 : f32
        %parallel_loop3A_365 = vector.broadcast %parallel_loop3A_364 : f32 to vector<16xf32>
        %parallel_loop3A_366 = arith.mulf %parallel_loop3A_363, %parallel_loop3A_365 : vector<16xf32>
        %parallel_loop3A_367 = arith.subf %parallel_loop3A_366, %parallel_loop3A_360 : vector<16xf32>
        %parallel_loop3A_368 = arith.mulf %parallel_loop3A_367, %parallel_loop3A_367 : vector<16xf32>
        %parallel_loop3A_369 = arith.constant 16 : i32
        %parallel_loop3A_370 = arith.muli %parallel_loop3A_345, %parallel_loop3A_369 : i32
        %parallel_loop3A_371 = arith.addi %mul3A_256, %parallel_loop3A_370 : i32
        %parallel_loop3A_372 = arith.index_cast %parallel_loop3A_371 : i32 to index
        %parallel_loop3A_373 = tpu.vector_load %arg12[%parallel_loop3A_372] {strides = array<i32>} : memref<10000xf32, #tpu.memory_space<vmem>>, vector<16xf32>,
        tpu.vector_store %arg12[%parallel_loop3A_372], %parallel_loop3A_368 {strides = array<i32>} : memref<10000xf32, #tpu.memory_space<vmem>>, vector<16xf32>,
      } {sc.loop_unroll_factor = 1 : i64, sc.parallel_access}
      %lt3A_260 = arith.constant 24 : i32
      %lt3A_261 = arith.cmpi slt, %scan3A_148, %lt3A_260 : i32
      %convert_element_type3A_262 = arith.extui %lt3A_261 : i1 to i32
      %cond3A_263 = arith.constant 0 : i32
      %cond3A_264 = arith.cmpi ne, %convert_element_type3A_262, %cond3A_263 : i32
      scf.if %cond3A_264 {
        %add3A_345 = arith.constant 5 : i32
        %add3A_346 = arith.addi %add3A_228, %add3A_345 : i32
        %mul3A_347 = arith.constant 80 : i32
        %mul3A_348 = arith.muli %add3A_346, %mul3A_347 : i32
        %dma_start3A_349 = arith.constant 2 : i32
        %dma_start3A_350 = arith.constant 2 : i32
        %dma_start3A_351 = arith.constant 0 : i32
        %dma_start3A_352 = arith.constant 0 : i32
        %dma_start3A_353 = tpu.memref_slice %arg9[%dma_start3A_349, %dma_start3A_351, %dma_start3A_352] : memref<5x80x64xi32, #tpu.memory_space<vmem>> -> memref<1x80x64xi32, #tpu.memory_space<vmem>>
        %dma_start3A_354 = tpu.memref_squeeze %dma_start3A_353 : memref<1x80x64xi32, #tpu.memory_space<vmem>> -> memref<80x64xi32, #tpu.memory_space<vmem>>
        %dma_start3A_355 = tpu.memref_slice %arg7[%mul3A_348] : memref<10000xi32, #tpu.memory_space<vmem>> -> memref<80xi32, #tpu.memory_space<vmem>>
        %dma_start3A_356 = arith.constant 0 : i32
        %dma_start3A_357 = arith.constant 0 : i32
        %dma_start3A_358 = tpu.memref_slice %arg2[%dma_start3A_356, %dma_start3A_357] : memref<10000x64xi32, #tpu.memory_space<hbm>> -> memref<10000x64xi32, #tpu.memory_space<hbm>>
        %dma_start3A_359 = tpu.memref_slice %arg14[%dma_start3A_350] : memref<5x!tpu.dma_semaphore, #tpu.memory_space<semaphore_mem>> -> memref<1x!tpu.dma_semaphore, #tpu.memory_space<semaphore_mem>>
        %dma_start3A_360 = tpu.memref_squeeze %dma_start3A_359 : memref<1x!tpu.dma_semaphore, #tpu.memory_space<semaphore_mem>> -> memref<!tpu.dma_semaphore, #tpu.memory_space<semaphore_mem>>
        tpu.enqueue_indirect_dma source(%dma_start3A_358 : memref<10000x64xi32, #tpu.memory_space<hbm>>) target(%dma_start3A_354 : memref<80x64xi32, #tpu.memory_space<vmem>>) offsets(%dma_start3A_355 : memref<80xi32, #tpu.memory_space<vmem>>) semaphore(%dma_start3A_360 : memref<!tpu.dma_semaphore, #tpu.memory_space<semaphore_mem>>)
        %dma_start3A_361 = arith.constant 2 : i32
        %dma_start3A_362 = arith.constant 2 : i32
        %dma_start3A_363 = arith.constant 0 : i32
        %dma_start3A_364 = arith.constant 0 : i32
        %dma_start3A_365 = tpu.memref_slice %arg10[%dma_start3A_361, %dma_start3A_363, %dma_start3A_364] : memref<5x80x64xi32, #tpu.memory_space<vmem>> -> memref<1x80x64xi32, #tpu.memory_space<vmem>>
        %dma_start3A_366 = tpu.memref_squeeze %dma_start3A_365 : memref<1x80x64xi32, #tpu.memory_space<vmem>> -> memref<80x64xi32, #tpu.memory_space<vmem>>
        %dma_start3A_367 = tpu.memref_slice %arg8[%mul3A_348] : memref<10000xi32, #tpu.memory_space<vmem>> -> memref<80xi32, #tpu.memory_space<vmem>>
        %dma_start3A_368 = arith.constant 0 : i32
        %dma_start3A_369 = arith.constant 0 : i32
        %dma_start3A_370 = tpu.memref_slice %arg2[%dma_start3A_368, %dma_start3A_369] : memref<10000x64xi32, #tpu.memory_space<hbm>> -> memref<10000x64xi32, #tpu.memory_space<hbm>>
        %dma_start3A_371 = tpu.memref_slice %arg14[%dma_start3A_362] : memref<5x!tpu.dma_semaphore, #tpu.memory_space<semaphore_mem>> -> memref<1x!tpu.dma_semaphore, #tpu.memory_space<semaphore_mem>>
        %dma_start3A_372 = tpu.memref_squeeze %dma_start3A_371 : memref<1x!tpu.dma_semaphore, #tpu.memory_space<semaphore_mem>> -> memref<!tpu.dma_semaphore, #tpu.memory_space<semaphore_mem>>
        tpu.enqueue_indirect_dma source(%dma_start3A_370 : memref<10000x64xi32, #tpu.memory_space<hbm>>) target(%dma_start3A_366 : memref<80x64xi32, #tpu.memory_space<vmem>>) offsets(%dma_start3A_367 : memref<80xi32, #tpu.memory_space<vmem>>) semaphore(%dma_start3A_372 : memref<!tpu.dma_semaphore, #tpu.memory_space<semaphore_mem>>)
      } else {
      }
      %mul3A_265 = arith.constant 5 : i32
      %mul3A_266 = arith.muli %scan3A_148, %mul3A_265 : i32
      %add3A_267 = arith.constant 3 : i32
      %add3A_268 = arith.addi %mul3A_266, %add3A_267 : i32
      %dma_wait3A_269 = arith.constant 3 : i32
      %dma_wait3A_270 = arith.constant 3 : i32
      %dma_wait3A_271 = arith.constant 0 : i32
      %dma_wait3A_272 = arith.constant 0 : i32
      %dma_wait3A_273 = tpu.memref_slice %arg9[%dma_wait3A_269, %dma_wait3A_271, %dma_wait3A_272] : memref<5x80x64xi32, #tpu.memory_space<vmem>> -> memref<1x80x64xi32, #tpu.memory_space<vmem>>
      %dma_wait3A_274 = tpu.memref_squeeze %dma_wait3A_273 : memref<1x80x64xi32, #tpu.memory_space<vmem>> -> memref<80x64xi32, #tpu.memory_space<vmem>>
      %dma_wait3A_275 = arith.constant 0 : i32
      %dma_wait3A_276 = tpu.memref_slice %arg7[%dma_wait3A_275] : memref<10000xi32, #tpu.memory_space<vmem>> -> memref<80xi32, #tpu.memory_space<vmem>>
      %dma_wait3A_277 = arith.constant 0 : i32
      %dma_wait3A_278 = arith.constant 0 : i32
      %dma_wait3A_279 = tpu.memref_slice %arg2[%dma_wait3A_277, %dma_wait3A_278] : memref<10000x64xi32, #tpu.memory_space<hbm>> -> memref<10000x64xi32, #tpu.memory_space<hbm>>
      %dma_wait3A_280 = tpu.memref_slice %arg14[%dma_wait3A_270] : memref<5x!tpu.dma_semaphore, #tpu.memory_space<semaphore_mem>> -> memref<1x!tpu.dma_semaphore, #tpu.memory_space<semaphore_mem>>
      %dma_wait3A_281 = tpu.memref_squeeze %dma_wait3A_280 : memref<1x!tpu.dma_semaphore, #tpu.memory_space<semaphore_mem>> -> memref<!tpu.dma_semaphore, #tpu.memory_space<semaphore_mem>>
      tpu.wait_indirect_dma semaphore(%dma_wait3A_281 : memref<!tpu.dma_semaphore, #tpu.memory_space<semaphore_mem>>) src(%dma_wait3A_279 : memref<10000x64xi32, #tpu.memory_space<hbm>>) dst(%dma_wait3A_274 : memref<80x64xi32, #tpu.memory_space<vmem>>)
      %dma_wait3A_282 = arith.constant 3 : i32
      %dma_wait3A_283 = arith.constant 3 : i32
      %dma_wait3A_284 = arith.constant 0 : i32
      %dma_wait3A_285 = arith.constant 0 : i32
      %dma_wait3A_286 = tpu.memref_slice %arg10[%dma_wait3A_282, %dma_wait3A_284, %dma_wait3A_285] : memref<5x80x64xi32, #tpu.memory_space<vmem>> -> memref<1x80x64xi32, #tpu.memory_space<vmem>>
      %dma_wait3A_287 = tpu.memref_squeeze %dma_wait3A_286 : memref<1x80x64xi32, #tpu.memory_space<vmem>> -> memref<80x64xi32, #tpu.memory_space<vmem>>
      %dma_wait3A_288 = arith.constant 0 : i32
      %dma_wait3A_289 = tpu.memref_slice %arg8[%dma_wait3A_288] : memref<10000xi32, #tpu.memory_space<vmem>> -> memref<80xi32, #tpu.memory_space<vmem>>
      %dma_wait3A_290 = arith.constant 0 : i32
      %dma_wait3A_291 = arith.constant 0 : i32
      %dma_wait3A_292 = tpu.memref_slice %arg2[%dma_wait3A_290, %dma_wait3A_291] : memref<10000x64xi32, #tpu.memory_space<hbm>> -> memref<10000x64xi32, #tpu.memory_space<hbm>>
      %dma_wait3A_293 = tpu.memref_slice %arg14[%dma_wait3A_283] : memref<5x!tpu.dma_semaphore, #tpu.memory_space<semaphore_mem>> -> memref<1x!tpu.dma_semaphore, #tpu.memory_space<semaphore_mem>>
      %dma_wait3A_294 = tpu.memref_squeeze %dma_wait3A_293 : memref<1x!tpu.dma_semaphore, #tpu.memory_space<semaphore_mem>> -> memref<!tpu.dma_semaphore, #tpu.memory_space<semaphore_mem>>
      tpu.wait_indirect_dma semaphore(%dma_wait3A_294 : memref<!tpu.dma_semaphore, #tpu.memory_space<semaphore_mem>>) src(%dma_wait3A_292 : memref<10000x64xi32, #tpu.memory_space<hbm>>) dst(%dma_wait3A_287 : memref<80x64xi32, #tpu.memory_space<vmem>>)
      %mul3A_295 = arith.constant 80 : i32
      %mul3A_296 = arith.muli %add3A_268, %mul3A_295 : i32
      %parallel_loop3A_297 = arith.constant 0 : i32
      %parallel_loop3A_298 = arith.constant 5 : i32
      %parallel_loop3A_299 = arith.constant 1 : i32
      scf.for %parallel_loop3A_345 = %parallel_loop3A_297 to %parallel_loop3A_298 step %parallel_loop3A_299  : i32 {
        %parallel_loop3A_346 = arith.constant 16 : i32
        %parallel_loop3A_347 = arith.muli %parallel_loop3A_345, %parallel_loop3A_346 : i32
        %parallel_loop3A_348 = vector.broadcast %parallel_loop3A_347 : i32 to vector<16xi32>
        %parallel_loop3A_349 = arith.addi %parallel_loop3A_348, %iota3A : vector<16xi32>
        %parallel_loop3A_350 = arith.constant 0.000000e+00 : f32
        %parallel_loop3A_351 = vector.broadcast %parallel_loop3A_350 : f32 to vector<16xf32>
        %parallel_loop3A_352 = arith.constant 0 : i32
        %parallel_loop3A_353 = arith.constant 16 : i32
        %parallel_loop3A_354 = arith.constant 1 : i32
        %parallel_loop3A_355 = scf.for %parallel_loop3A_374 = %parallel_loop3A_352 to %parallel_loop3A_353 step %parallel_loop3A_354 iter_args(%parallel_loop3A_375 = %parallel_loop3A_351) -> (vector<16xf32>)  : i32 {
          %parallel_loop3A_376 = arith.constant 4 : i32
          %parallel_loop3A_377 = arith.muli %parallel_loop3A_374, %parallel_loop3A_376 : i32
          %parallel_loop3A_378 = vector.broadcast %parallel_loop3A_377 : i32 to vector<16xi32>
          %parallel_loop3A_379 = arith.addi %iota3A, %parallel_loop3A_378 : vector<16xi32>
          %parallel_loop3A_380 = arith.constant 0 : i32
          %parallel_loop3A_381 = vector.broadcast %parallel_loop3A_380 : i32 to vector<16xi32>
          %parallel_loop3A_382 = arith.addi %parallel_loop3A_379, %parallel_loop3A_381 : vector<16xi32>
          %parallel_loop3A_383 = arith.constant 63 : i32
          %parallel_loop3A_384 = vector.broadcast %parallel_loop3A_383 : i32 to vector<16xi32>
          %parallel_loop3A_385 = arith.andi %parallel_loop3A_382, %parallel_loop3A_384 : vector<16xi32>
          %parallel_loop3A_386 = arith.constant 3 : i32
          %parallel_loop3A_387 = arith.constant 0 : i32
          %parallel_loop3A_388 = arith.constant 0 : i32
          %parallel_loop3A_389 = tpu.memref_slice %arg9[%parallel_loop3A_386, %parallel_loop3A_387, %parallel_loop3A_388] : memref<5x80x64xi32, #tpu.memory_space<vmem>> -> memref<1x80x64xi32, #tpu.memory_space<vmem>>
          %parallel_loop3A_390 = tpu.memref_squeeze %parallel_loop3A_389 : memref<1x80x64xi32, #tpu.memory_space<vmem>> -> memref<80x64xi32, #tpu.memory_space<vmem>>
          %parallel_loop3A_391 = tpu.vector_load_idx %parallel_loop3A_390[%parallel_loop3A_349, %parallel_loop3A_385] : memref<80x64xi32, #tpu.memory_space<vmem>>[vector<16xi32>, vector<16xi32>], vector<16xi32>,
          %parallel_loop3A_392 = arith.constant 3 : i32
          %parallel_loop3A_393 = arith.constant 0 : i32
          %parallel_loop3A_394 = arith.constant 0 : i32
          %parallel_loop3A_395 = tpu.memref_slice %arg10[%parallel_loop3A_392, %parallel_loop3A_393, %parallel_loop3A_394] : memref<5x80x64xi32, #tpu.memory_space<vmem>> -> memref<1x80x64xi32, #tpu.memory_space<vmem>>
          %parallel_loop3A_396 = tpu.memref_squeeze %parallel_loop3A_395 : memref<1x80x64xi32, #tpu.memory_space<vmem>> -> memref<80x64xi32, #tpu.memory_space<vmem>>
          %parallel_loop3A_397 = tpu.vector_load_idx %parallel_loop3A_396[%parallel_loop3A_349, %parallel_loop3A_385] : memref<80x64xi32, #tpu.memory_space<vmem>>[vector<16xi32>, vector<16xi32>], vector<16xi32>,
          %parallel_loop3A_398 = vector.bitcast %parallel_loop3A_391 : vector<16xi32> to vector<32xbf16>
          %parallel_loop3A_399 = vector.bitcast %parallel_loop3A_397 : vector<16xi32> to vector<32xbf16>
          %parallel_loop3A_400 = arith.mulf %parallel_loop3A_398, %parallel_loop3A_399 : vector<32xbf16>
          %parallel_loop3A_401 = arith.constant 4 : i32
          %parallel_loop3A_402 = arith.muli %parallel_loop3A_374, %parallel_loop3A_401 : i32
          %parallel_loop3A_403 = vector.broadcast %parallel_loop3A_402 : i32 to vector<16xi32>
          %parallel_loop3A_404 = arith.addi %iota3A, %parallel_loop3A_403 : vector<16xi32>
          %parallel_loop3A_405 = arith.constant 1 : i32
          %parallel_loop3A_406 = vector.broadcast %parallel_loop3A_405 : i32 to vector<16xi32>
          %parallel_loop3A_407 = arith.addi %parallel_loop3A_404, %parallel_loop3A_406 : vector<16xi32>
          %parallel_loop3A_408 = arith.constant 63 : i32
          %parallel_loop3A_409 = vector.broadcast %parallel_loop3A_408 : i32 to vector<16xi32>
          %parallel_loop3A_410 = arith.andi %parallel_loop3A_407, %parallel_loop3A_409 : vector<16xi32>
          %parallel_loop3A_411 = arith.constant 3 : i32
          %parallel_loop3A_412 = arith.constant 0 : i32
          %parallel_loop3A_413 = arith.constant 0 : i32
          %parallel_loop3A_414 = tpu.memref_slice %arg9[%parallel_loop3A_411, %parallel_loop3A_412, %parallel_loop3A_413] : memref<5x80x64xi32, #tpu.memory_space<vmem>> -> memref<1x80x64xi32, #tpu.memory_space<vmem>>
          %parallel_loop3A_415 = tpu.memref_squeeze %parallel_loop3A_414 : memref<1x80x64xi32, #tpu.memory_space<vmem>> -> memref<80x64xi32, #tpu.memory_space<vmem>>
          %parallel_loop3A_416 = tpu.vector_load_idx %parallel_loop3A_415[%parallel_loop3A_349, %parallel_loop3A_410] : memref<80x64xi32, #tpu.memory_space<vmem>>[vector<16xi32>, vector<16xi32>], vector<16xi32>,
          %parallel_loop3A_417 = arith.constant 3 : i32
          %parallel_loop3A_418 = arith.constant 0 : i32
          %parallel_loop3A_419 = arith.constant 0 : i32
          %parallel_loop3A_420 = tpu.memref_slice %arg10[%parallel_loop3A_417, %parallel_loop3A_418, %parallel_loop3A_419] : memref<5x80x64xi32, #tpu.memory_space<vmem>> -> memref<1x80x64xi32, #tpu.memory_space<vmem>>
          %parallel_loop3A_421 = tpu.memref_squeeze %parallel_loop3A_420 : memref<1x80x64xi32, #tpu.memory_space<vmem>> -> memref<80x64xi32, #tpu.memory_space<vmem>>
          %parallel_loop3A_422 = tpu.vector_load_idx %parallel_loop3A_421[%parallel_loop3A_349, %parallel_loop3A_410] : memref<80x64xi32, #tpu.memory_space<vmem>>[vector<16xi32>, vector<16xi32>], vector<16xi32>,
          %parallel_loop3A_423 = vector.bitcast %parallel_loop3A_416 : vector<16xi32> to vector<32xbf16>
          %parallel_loop3A_424 = vector.bitcast %parallel_loop3A_422 : vector<16xi32> to vector<32xbf16>
          %parallel_loop3A_425 = arith.mulf %parallel_loop3A_423, %parallel_loop3A_424 : vector<32xbf16>
          %parallel_loop3A_426 = arith.addf %parallel_loop3A_400, %parallel_loop3A_425 : vector<32xbf16>
          %parallel_loop3A_427 = arith.constant 4 : i32
          %parallel_loop3A_428 = arith.muli %parallel_loop3A_374, %parallel_loop3A_427 : i32
          %parallel_loop3A_429 = vector.broadcast %parallel_loop3A_428 : i32 to vector<16xi32>
          %parallel_loop3A_430 = arith.addi %iota3A, %parallel_loop3A_429 : vector<16xi32>
          %parallel_loop3A_431 = arith.constant 2 : i32
          %parallel_loop3A_432 = vector.broadcast %parallel_loop3A_431 : i32 to vector<16xi32>
          %parallel_loop3A_433 = arith.addi %parallel_loop3A_430, %parallel_loop3A_432 : vector<16xi32>
          %parallel_loop3A_434 = arith.constant 63 : i32
          %parallel_loop3A_435 = vector.broadcast %parallel_loop3A_434 : i32 to vector<16xi32>
          %parallel_loop3A_436 = arith.andi %parallel_loop3A_433, %parallel_loop3A_435 : vector<16xi32>
          %parallel_loop3A_437 = arith.constant 3 : i32
          %parallel_loop3A_438 = arith.constant 0 : i32
          %parallel_loop3A_439 = arith.constant 0 : i32
          %parallel_loop3A_440 = tpu.memref_slice %arg9[%parallel_loop3A_437, %parallel_loop3A_438, %parallel_loop3A_439] : memref<5x80x64xi32, #tpu.memory_space<vmem>> -> memref<1x80x64xi32, #tpu.memory_space<vmem>>
          %parallel_loop3A_441 = tpu.memref_squeeze %parallel_loop3A_440 : memref<1x80x64xi32, #tpu.memory_space<vmem>> -> memref<80x64xi32, #tpu.memory_space<vmem>>
          %parallel_loop3A_442 = tpu.vector_load_idx %parallel_loop3A_441[%parallel_loop3A_349, %parallel_loop3A_436] : memref<80x64xi32, #tpu.memory_space<vmem>>[vector<16xi32>, vector<16xi32>], vector<16xi32>,
          %parallel_loop3A_443 = arith.constant 3 : i32
          %parallel_loop3A_444 = arith.constant 0 : i32
          %parallel_loop3A_445 = arith.constant 0 : i32
          %parallel_loop3A_446 = tpu.memref_slice %arg10[%parallel_loop3A_443, %parallel_loop3A_444, %parallel_loop3A_445] : memref<5x80x64xi32, #tpu.memory_space<vmem>> -> memref<1x80x64xi32, #tpu.memory_space<vmem>>
          %parallel_loop3A_447 = tpu.memref_squeeze %parallel_loop3A_446 : memref<1x80x64xi32, #tpu.memory_space<vmem>> -> memref<80x64xi32, #tpu.memory_space<vmem>>
          %parallel_loop3A_448 = tpu.vector_load_idx %parallel_loop3A_447[%parallel_loop3A_349, %parallel_loop3A_436] : memref<80x64xi32, #tpu.memory_space<vmem>>[vector<16xi32>, vector<16xi32>], vector<16xi32>,
          %parallel_loop3A_449 = vector.bitcast %parallel_loop3A_442 : vector<16xi32> to vector<32xbf16>
          %parallel_loop3A_450 = vector.bitcast %parallel_loop3A_448 : vector<16xi32> to vector<32xbf16>
          %parallel_loop3A_451 = arith.mulf %parallel_loop3A_449, %parallel_loop3A_450 : vector<32xbf16>
          %parallel_loop3A_452 = arith.addf %parallel_loop3A_426, %parallel_loop3A_451 : vector<32xbf16>
          %parallel_loop3A_453 = arith.constant 4 : i32
          %parallel_loop3A_454 = arith.muli %parallel_loop3A_374, %parallel_loop3A_453 : i32
          %parallel_loop3A_455 = vector.broadcast %parallel_loop3A_454 : i32 to vector<16xi32>
          %parallel_loop3A_456 = arith.addi %iota3A, %parallel_loop3A_455 : vector<16xi32>
          %parallel_loop3A_457 = arith.constant 3 : i32
          %parallel_loop3A_458 = vector.broadcast %parallel_loop3A_457 : i32 to vector<16xi32>
          %parallel_loop3A_459 = arith.addi %parallel_loop3A_456, %parallel_loop3A_458 : vector<16xi32>
          %parallel_loop3A_460 = arith.constant 63 : i32
          %parallel_loop3A_461 = vector.broadcast %parallel_loop3A_460 : i32 to vector<16xi32>
          %parallel_loop3A_462 = arith.andi %parallel_loop3A_459, %parallel_loop3A_461 : vector<16xi32>
          %parallel_loop3A_463 = arith.constant 3 : i32
          %parallel_loop3A_464 = arith.constant 0 : i32
          %parallel_loop3A_465 = arith.constant 0 : i32
          %parallel_loop3A_466 = tpu.memref_slice %arg9[%parallel_loop3A_463, %parallel_loop3A_464, %parallel_loop3A_465] : memref<5x80x64xi32, #tpu.memory_space<vmem>> -> memref<1x80x64xi32, #tpu.memory_space<vmem>>
          %parallel_loop3A_467 = tpu.memref_squeeze %parallel_loop3A_466 : memref<1x80x64xi32, #tpu.memory_space<vmem>> -> memref<80x64xi32, #tpu.memory_space<vmem>>
          %parallel_loop3A_468 = tpu.vector_load_idx %parallel_loop3A_467[%parallel_loop3A_349, %parallel_loop3A_462] : memref<80x64xi32, #tpu.memory_space<vmem>>[vector<16xi32>, vector<16xi32>], vector<16xi32>,
          %parallel_loop3A_469 = arith.constant 3 : i32
          %parallel_loop3A_470 = arith.constant 0 : i32
          %parallel_loop3A_471 = arith.constant 0 : i32
          %parallel_loop3A_472 = tpu.memref_slice %arg10[%parallel_loop3A_469, %parallel_loop3A_470, %parallel_loop3A_471] : memref<5x80x64xi32, #tpu.memory_space<vmem>> -> memref<1x80x64xi32, #tpu.memory_space<vmem>>
          %parallel_loop3A_473 = tpu.memref_squeeze %parallel_loop3A_472 : memref<1x80x64xi32, #tpu.memory_space<vmem>> -> memref<80x64xi32, #tpu.memory_space<vmem>>
          %parallel_loop3A_474 = tpu.vector_load_idx %parallel_loop3A_473[%parallel_loop3A_349, %parallel_loop3A_462] : memref<80x64xi32, #tpu.memory_space<vmem>>[vector<16xi32>, vector<16xi32>], vector<16xi32>,
          %parallel_loop3A_475 = vector.bitcast %parallel_loop3A_468 : vector<16xi32> to vector<32xbf16>
          %parallel_loop3A_476 = vector.bitcast %parallel_loop3A_474 : vector<16xi32> to vector<32xbf16>
          %parallel_loop3A_477 = arith.mulf %parallel_loop3A_475, %parallel_loop3A_476 : vector<32xbf16>
          %parallel_loop3A_478 = arith.addf %parallel_loop3A_452, %parallel_loop3A_477 : vector<32xbf16>
          %parallel_loop3A_479 = tpu.unpack_subelements %parallel_loop3A_478, 0 {pack_format = #tpu.pack_format<interleaved>} : vector<32xbf16> -> vector<16xf32>
          %parallel_loop3A_480 = tpu.unpack_subelements %parallel_loop3A_478, 1 {pack_format = #tpu.pack_format<interleaved>} : vector<32xbf16> -> vector<16xf32>
          %parallel_loop3A_481 = arith.addf %parallel_loop3A_375, %parallel_loop3A_479 : vector<16xf32>
          %parallel_loop3A_482 = arith.addf %parallel_loop3A_481, %parallel_loop3A_480 : vector<16xf32>
          scf.yield %parallel_loop3A_482 : vector<16xf32>
        } {sc.loop_unroll_factor = 1 : i64, sc.parallel_access}
        %parallel_loop3A_356 = arith.constant 16 : i32
        %parallel_loop3A_357 = arith.muli %parallel_loop3A_345, %parallel_loop3A_356 : i32
        %parallel_loop3A_358 = arith.addi %mul3A_296, %parallel_loop3A_357 : i32
        %parallel_loop3A_359 = arith.index_cast %parallel_loop3A_358 : i32 to index
        %parallel_loop3A_360 = tpu.vector_load %arg11[%parallel_loop3A_359] {strides = array<i32>} : memref<10000xf32, #tpu.memory_space<vmem>>, vector<16xf32>,
        %parallel_loop3A_361 = arith.constant 1.000000e+00 : f32
        %parallel_loop3A_362 = vector.broadcast %parallel_loop3A_361 : f32 to vector<16xf32>
        %parallel_loop3A_363 = arith.addf %parallel_loop3A_355, %parallel_loop3A_362 : vector<16xf32>
        %parallel_loop3A_364 = arith.constant 5.000000e-01 : f32
        %parallel_loop3A_365 = vector.broadcast %parallel_loop3A_364 : f32 to vector<16xf32>
        %parallel_loop3A_366 = arith.mulf %parallel_loop3A_363, %parallel_loop3A_365 : vector<16xf32>
        %parallel_loop3A_367 = arith.subf %parallel_loop3A_366, %parallel_loop3A_360 : vector<16xf32>
        %parallel_loop3A_368 = arith.mulf %parallel_loop3A_367, %parallel_loop3A_367 : vector<16xf32>
        %parallel_loop3A_369 = arith.constant 16 : i32
        %parallel_loop3A_370 = arith.muli %parallel_loop3A_345, %parallel_loop3A_369 : i32
        %parallel_loop3A_371 = arith.addi %mul3A_296, %parallel_loop3A_370 : i32
        %parallel_loop3A_372 = arith.index_cast %parallel_loop3A_371 : i32 to index
        %parallel_loop3A_373 = tpu.vector_load %arg12[%parallel_loop3A_372] {strides = array<i32>} : memref<10000xf32, #tpu.memory_space<vmem>>, vector<16xf32>,
        tpu.vector_store %arg12[%parallel_loop3A_372], %parallel_loop3A_368 {strides = array<i32>} : memref<10000xf32, #tpu.memory_space<vmem>>, vector<16xf32>,
      } {sc.loop_unroll_factor = 1 : i64, sc.parallel_access}
      %lt3A_300 = arith.constant 24 : i32
      %lt3A_301 = arith.cmpi slt, %scan3A_148, %lt3A_300 : i32
      %convert_element_type3A_302 = arith.extui %lt3A_301 : i1 to i32
      %cond3A_303 = arith.constant 0 : i32
      %cond3A_304 = arith.cmpi ne, %convert_element_type3A_302, %cond3A_303 : i32
      scf.if %cond3A_304 {
        %add3A_345 = arith.constant 5 : i32
        %add3A_346 = arith.addi %add3A_268, %add3A_345 : i32
        %mul3A_347 = arith.constant 80 : i32
        %mul3A_348 = arith.muli %add3A_346, %mul3A_347 : i32
        %dma_start3A_349 = arith.constant 3 : i32
        %dma_start3A_350 = arith.constant 3 : i32
        %dma_start3A_351 = arith.constant 0 : i32
        %dma_start3A_352 = arith.constant 0 : i32
        %dma_start3A_353 = tpu.memref_slice %arg9[%dma_start3A_349, %dma_start3A_351, %dma_start3A_352] : memref<5x80x64xi32, #tpu.memory_space<vmem>> -> memref<1x80x64xi32, #tpu.memory_space<vmem>>
        %dma_start3A_354 = tpu.memref_squeeze %dma_start3A_353 : memref<1x80x64xi32, #tpu.memory_space<vmem>> -> memref<80x64xi32, #tpu.memory_space<vmem>>
        %dma_start3A_355 = tpu.memref_slice %arg7[%mul3A_348] : memref<10000xi32, #tpu.memory_space<vmem>> -> memref<80xi32, #tpu.memory_space<vmem>>
        %dma_start3A_356 = arith.constant 0 : i32
        %dma_start3A_357 = arith.constant 0 : i32
        %dma_start3A_358 = tpu.memref_slice %arg2[%dma_start3A_356, %dma_start3A_357] : memref<10000x64xi32, #tpu.memory_space<hbm>> -> memref<10000x64xi32, #tpu.memory_space<hbm>>
        %dma_start3A_359 = tpu.memref_slice %arg14[%dma_start3A_350] : memref<5x!tpu.dma_semaphore, #tpu.memory_space<semaphore_mem>> -> memref<1x!tpu.dma_semaphore, #tpu.memory_space<semaphore_mem>>
        %dma_start3A_360 = tpu.memref_squeeze %dma_start3A_359 : memref<1x!tpu.dma_semaphore, #tpu.memory_space<semaphore_mem>> -> memref<!tpu.dma_semaphore, #tpu.memory_space<semaphore_mem>>
        tpu.enqueue_indirect_dma source(%dma_start3A_358 : memref<10000x64xi32, #tpu.memory_space<hbm>>) target(%dma_start3A_354 : memref<80x64xi32, #tpu.memory_space<vmem>>) offsets(%dma_start3A_355 : memref<80xi32, #tpu.memory_space<vmem>>) semaphore(%dma_start3A_360 : memref<!tpu.dma_semaphore, #tpu.memory_space<semaphore_mem>>)
        %dma_start3A_361 = arith.constant 3 : i32
        %dma_start3A_362 = arith.constant 3 : i32
        %dma_start3A_363 = arith.constant 0 : i32
        %dma_start3A_364 = arith.constant 0 : i32
        %dma_start3A_365 = tpu.memref_slice %arg10[%dma_start3A_361, %dma_start3A_363, %dma_start3A_364] : memref<5x80x64xi32, #tpu.memory_space<vmem>> -> memref<1x80x64xi32, #tpu.memory_space<vmem>>
        %dma_start3A_366 = tpu.memref_squeeze %dma_start3A_365 : memref<1x80x64xi32, #tpu.memory_space<vmem>> -> memref<80x64xi32, #tpu.memory_space<vmem>>
        %dma_start3A_367 = tpu.memref_slice %arg8[%mul3A_348] : memref<10000xi32, #tpu.memory_space<vmem>> -> memref<80xi32, #tpu.memory_space<vmem>>
        %dma_start3A_368 = arith.constant 0 : i32
        %dma_start3A_369 = arith.constant 0 : i32
        %dma_start3A_370 = tpu.memref_slice %arg2[%dma_start3A_368, %dma_start3A_369] : memref<10000x64xi32, #tpu.memory_space<hbm>> -> memref<10000x64xi32, #tpu.memory_space<hbm>>
        %dma_start3A_371 = tpu.memref_slice %arg14[%dma_start3A_362] : memref<5x!tpu.dma_semaphore, #tpu.memory_space<semaphore_mem>> -> memref<1x!tpu.dma_semaphore, #tpu.memory_space<semaphore_mem>>
        %dma_start3A_372 = tpu.memref_squeeze %dma_start3A_371 : memref<1x!tpu.dma_semaphore, #tpu.memory_space<semaphore_mem>> -> memref<!tpu.dma_semaphore, #tpu.memory_space<semaphore_mem>>
        tpu.enqueue_indirect_dma source(%dma_start3A_370 : memref<10000x64xi32, #tpu.memory_space<hbm>>) target(%dma_start3A_366 : memref<80x64xi32, #tpu.memory_space<vmem>>) offsets(%dma_start3A_367 : memref<80xi32, #tpu.memory_space<vmem>>) semaphore(%dma_start3A_372 : memref<!tpu.dma_semaphore, #tpu.memory_space<semaphore_mem>>)
      } else {
      }
      %mul3A_305 = arith.constant 5 : i32
      %mul3A_306 = arith.muli %scan3A_148, %mul3A_305 : i32
      %add3A_307 = arith.constant 4 : i32
      %add3A_308 = arith.addi %mul3A_306, %add3A_307 : i32
      %dma_wait3A_309 = arith.constant 4 : i32
      %dma_wait3A_310 = arith.constant 4 : i32
      %dma_wait3A_311 = arith.constant 0 : i32
      %dma_wait3A_312 = arith.constant 0 : i32
      %dma_wait3A_313 = tpu.memref_slice %arg9[%dma_wait3A_309, %dma_wait3A_311, %dma_wait3A_312] : memref<5x80x64xi32, #tpu.memory_space<vmem>> -> memref<1x80x64xi32, #tpu.memory_space<vmem>>
      %dma_wait3A_314 = tpu.memref_squeeze %dma_wait3A_313 : memref<1x80x64xi32, #tpu.memory_space<vmem>> -> memref<80x64xi32, #tpu.memory_space<vmem>>
      %dma_wait3A_315 = arith.constant 0 : i32
      %dma_wait3A_316 = tpu.memref_slice %arg7[%dma_wait3A_315] : memref<10000xi32, #tpu.memory_space<vmem>> -> memref<80xi32, #tpu.memory_space<vmem>>
      %dma_wait3A_317 = arith.constant 0 : i32
      %dma_wait3A_318 = arith.constant 0 : i32
      %dma_wait3A_319 = tpu.memref_slice %arg2[%dma_wait3A_317, %dma_wait3A_318] : memref<10000x64xi32, #tpu.memory_space<hbm>> -> memref<10000x64xi32, #tpu.memory_space<hbm>>
      %dma_wait3A_320 = tpu.memref_slice %arg14[%dma_wait3A_310] : memref<5x!tpu.dma_semaphore, #tpu.memory_space<semaphore_mem>> -> memref<1x!tpu.dma_semaphore, #tpu.memory_space<semaphore_mem>>
      %dma_wait3A_321 = tpu.memref_squeeze %dma_wait3A_320 : memref<1x!tpu.dma_semaphore, #tpu.memory_space<semaphore_mem>> -> memref<!tpu.dma_semaphore, #tpu.memory_space<semaphore_mem>>
      tpu.wait_indirect_dma semaphore(%dma_wait3A_321 : memref<!tpu.dma_semaphore, #tpu.memory_space<semaphore_mem>>) src(%dma_wait3A_319 : memref<10000x64xi32, #tpu.memory_space<hbm>>) dst(%dma_wait3A_314 : memref<80x64xi32, #tpu.memory_space<vmem>>)
      %dma_wait3A_322 = arith.constant 4 : i32
      %dma_wait3A_323 = arith.constant 4 : i32
      %dma_wait3A_324 = arith.constant 0 : i32
      %dma_wait3A_325 = arith.constant 0 : i32
      %dma_wait3A_326 = tpu.memref_slice %arg10[%dma_wait3A_322, %dma_wait3A_324, %dma_wait3A_325] : memref<5x80x64xi32, #tpu.memory_space<vmem>> -> memref<1x80x64xi32, #tpu.memory_space<vmem>>
      %dma_wait3A_327 = tpu.memref_squeeze %dma_wait3A_326 : memref<1x80x64xi32, #tpu.memory_space<vmem>> -> memref<80x64xi32, #tpu.memory_space<vmem>>
      %dma_wait3A_328 = arith.constant 0 : i32
      %dma_wait3A_329 = tpu.memref_slice %arg8[%dma_wait3A_328] : memref<10000xi32, #tpu.memory_space<vmem>> -> memref<80xi32, #tpu.memory_space<vmem>>
      %dma_wait3A_330 = arith.constant 0 : i32
      %dma_wait3A_331 = arith.constant 0 : i32
      %dma_wait3A_332 = tpu.memref_slice %arg2[%dma_wait3A_330, %dma_wait3A_331] : memref<10000x64xi32, #tpu.memory_space<hbm>> -> memref<10000x64xi32, #tpu.memory_space<hbm>>
      %dma_wait3A_333 = tpu.memref_slice %arg14[%dma_wait3A_323] : memref<5x!tpu.dma_semaphore, #tpu.memory_space<semaphore_mem>> -> memref<1x!tpu.dma_semaphore, #tpu.memory_space<semaphore_mem>>
      %dma_wait3A_334 = tpu.memref_squeeze %dma_wait3A_333 : memref<1x!tpu.dma_semaphore, #tpu.memory_space<semaphore_mem>> -> memref<!tpu.dma_semaphore, #tpu.memory_space<semaphore_mem>>
      tpu.wait_indirect_dma semaphore(%dma_wait3A_334 : memref<!tpu.dma_semaphore, #tpu.memory_space<semaphore_mem>>) src(%dma_wait3A_332 : memref<10000x64xi32, #tpu.memory_space<hbm>>) dst(%dma_wait3A_327 : memref<80x64xi32, #tpu.memory_space<vmem>>)
      %mul3A_335 = arith.constant 80 : i32
      %mul3A_336 = arith.muli %add3A_308, %mul3A_335 : i32
      %parallel_loop3A_337 = arith.constant 0 : i32
      %parallel_loop3A_338 = arith.constant 5 : i32
      %parallel_loop3A_339 = arith.constant 1 : i32
      scf.for %parallel_loop3A_345 = %parallel_loop3A_337 to %parallel_loop3A_338 step %parallel_loop3A_339  : i32 {
        %parallel_loop3A_346 = arith.constant 16 : i32
        %parallel_loop3A_347 = arith.muli %parallel_loop3A_345, %parallel_loop3A_346 : i32
        %parallel_loop3A_348 = vector.broadcast %parallel_loop3A_347 : i32 to vector<16xi32>
        %parallel_loop3A_349 = arith.addi %parallel_loop3A_348, %iota3A : vector<16xi32>
        %parallel_loop3A_350 = arith.constant 0.000000e+00 : f32
        %parallel_loop3A_351 = vector.broadcast %parallel_loop3A_350 : f32 to vector<16xf32>
        %parallel_loop3A_352 = arith.constant 0 : i32
        %parallel_loop3A_353 = arith.constant 16 : i32
        %parallel_loop3A_354 = arith.constant 1 : i32
        %parallel_loop3A_355 = scf.for %parallel_loop3A_374 = %parallel_loop3A_352 to %parallel_loop3A_353 step %parallel_loop3A_354 iter_args(%parallel_loop3A_375 = %parallel_loop3A_351) -> (vector<16xf32>)  : i32 {
          %parallel_loop3A_376 = arith.constant 4 : i32
          %parallel_loop3A_377 = arith.muli %parallel_loop3A_374, %parallel_loop3A_376 : i32
          %parallel_loop3A_378 = vector.broadcast %parallel_loop3A_377 : i32 to vector<16xi32>
          %parallel_loop3A_379 = arith.addi %iota3A, %parallel_loop3A_378 : vector<16xi32>
          %parallel_loop3A_380 = arith.constant 0 : i32
          %parallel_loop3A_381 = vector.broadcast %parallel_loop3A_380 : i32 to vector<16xi32>
          %parallel_loop3A_382 = arith.addi %parallel_loop3A_379, %parallel_loop3A_381 : vector<16xi32>
          %parallel_loop3A_383 = arith.constant 63 : i32
          %parallel_loop3A_384 = vector.broadcast %parallel_loop3A_383 : i32 to vector<16xi32>
          %parallel_loop3A_385 = arith.andi %parallel_loop3A_382, %parallel_loop3A_384 : vector<16xi32>
          %parallel_loop3A_386 = arith.constant 4 : i32
          %parallel_loop3A_387 = arith.constant 0 : i32
          %parallel_loop3A_388 = arith.constant 0 : i32
          %parallel_loop3A_389 = tpu.memref_slice %arg9[%parallel_loop3A_386, %parallel_loop3A_387, %parallel_loop3A_388] : memref<5x80x64xi32, #tpu.memory_space<vmem>> -> memref<1x80x64xi32, #tpu.memory_space<vmem>>
          %parallel_loop3A_390 = tpu.memref_squeeze %parallel_loop3A_389 : memref<1x80x64xi32, #tpu.memory_space<vmem>> -> memref<80x64xi32, #tpu.memory_space<vmem>>
          %parallel_loop3A_391 = tpu.vector_load_idx %parallel_loop3A_390[%parallel_loop3A_349, %parallel_loop3A_385] : memref<80x64xi32, #tpu.memory_space<vmem>>[vector<16xi32>, vector<16xi32>], vector<16xi32>,
          %parallel_loop3A_392 = arith.constant 4 : i32
          %parallel_loop3A_393 = arith.constant 0 : i32
          %parallel_loop3A_394 = arith.constant 0 : i32
          %parallel_loop3A_395 = tpu.memref_slice %arg10[%parallel_loop3A_392, %parallel_loop3A_393, %parallel_loop3A_394] : memref<5x80x64xi32, #tpu.memory_space<vmem>> -> memref<1x80x64xi32, #tpu.memory_space<vmem>>
          %parallel_loop3A_396 = tpu.memref_squeeze %parallel_loop3A_395 : memref<1x80x64xi32, #tpu.memory_space<vmem>> -> memref<80x64xi32, #tpu.memory_space<vmem>>
          %parallel_loop3A_397 = tpu.vector_load_idx %parallel_loop3A_396[%parallel_loop3A_349, %parallel_loop3A_385] : memref<80x64xi32, #tpu.memory_space<vmem>>[vector<16xi32>, vector<16xi32>], vector<16xi32>,
          %parallel_loop3A_398 = vector.bitcast %parallel_loop3A_391 : vector<16xi32> to vector<32xbf16>
          %parallel_loop3A_399 = vector.bitcast %parallel_loop3A_397 : vector<16xi32> to vector<32xbf16>
          %parallel_loop3A_400 = arith.mulf %parallel_loop3A_398, %parallel_loop3A_399 : vector<32xbf16>
          %parallel_loop3A_401 = arith.constant 4 : i32
          %parallel_loop3A_402 = arith.muli %parallel_loop3A_374, %parallel_loop3A_401 : i32
          %parallel_loop3A_403 = vector.broadcast %parallel_loop3A_402 : i32 to vector<16xi32>
          %parallel_loop3A_404 = arith.addi %iota3A, %parallel_loop3A_403 : vector<16xi32>
          %parallel_loop3A_405 = arith.constant 1 : i32
          %parallel_loop3A_406 = vector.broadcast %parallel_loop3A_405 : i32 to vector<16xi32>
          %parallel_loop3A_407 = arith.addi %parallel_loop3A_404, %parallel_loop3A_406 : vector<16xi32>
          %parallel_loop3A_408 = arith.constant 63 : i32
          %parallel_loop3A_409 = vector.broadcast %parallel_loop3A_408 : i32 to vector<16xi32>
          %parallel_loop3A_410 = arith.andi %parallel_loop3A_407, %parallel_loop3A_409 : vector<16xi32>
          %parallel_loop3A_411 = arith.constant 4 : i32
          %parallel_loop3A_412 = arith.constant 0 : i32
          %parallel_loop3A_413 = arith.constant 0 : i32
          %parallel_loop3A_414 = tpu.memref_slice %arg9[%parallel_loop3A_411, %parallel_loop3A_412, %parallel_loop3A_413] : memref<5x80x64xi32, #tpu.memory_space<vmem>> -> memref<1x80x64xi32, #tpu.memory_space<vmem>>
          %parallel_loop3A_415 = tpu.memref_squeeze %parallel_loop3A_414 : memref<1x80x64xi32, #tpu.memory_space<vmem>> -> memref<80x64xi32, #tpu.memory_space<vmem>>
          %parallel_loop3A_416 = tpu.vector_load_idx %parallel_loop3A_415[%parallel_loop3A_349, %parallel_loop3A_410] : memref<80x64xi32, #tpu.memory_space<vmem>>[vector<16xi32>, vector<16xi32>], vector<16xi32>,
          %parallel_loop3A_417 = arith.constant 4 : i32
          %parallel_loop3A_418 = arith.constant 0 : i32
          %parallel_loop3A_419 = arith.constant 0 : i32
          %parallel_loop3A_420 = tpu.memref_slice %arg10[%parallel_loop3A_417, %parallel_loop3A_418, %parallel_loop3A_419] : memref<5x80x64xi32, #tpu.memory_space<vmem>> -> memref<1x80x64xi32, #tpu.memory_space<vmem>>
          %parallel_loop3A_421 = tpu.memref_squeeze %parallel_loop3A_420 : memref<1x80x64xi32, #tpu.memory_space<vmem>> -> memref<80x64xi32, #tpu.memory_space<vmem>>
          %parallel_loop3A_422 = tpu.vector_load_idx %parallel_loop3A_421[%parallel_loop3A_349, %parallel_loop3A_410] : memref<80x64xi32, #tpu.memory_space<vmem>>[vector<16xi32>, vector<16xi32>], vector<16xi32>,
          %parallel_loop3A_423 = vector.bitcast %parallel_loop3A_416 : vector<16xi32> to vector<32xbf16>
          %parallel_loop3A_424 = vector.bitcast %parallel_loop3A_422 : vector<16xi32> to vector<32xbf16>
          %parallel_loop3A_425 = arith.mulf %parallel_loop3A_423, %parallel_loop3A_424 : vector<32xbf16>
          %parallel_loop3A_426 = arith.addf %parallel_loop3A_400, %parallel_loop3A_425 : vector<32xbf16>
          %parallel_loop3A_427 = arith.constant 4 : i32
          %parallel_loop3A_428 = arith.muli %parallel_loop3A_374, %parallel_loop3A_427 : i32
          %parallel_loop3A_429 = vector.broadcast %parallel_loop3A_428 : i32 to vector<16xi32>
          %parallel_loop3A_430 = arith.addi %iota3A, %parallel_loop3A_429 : vector<16xi32>
          %parallel_loop3A_431 = arith.constant 2 : i32
          %parallel_loop3A_432 = vector.broadcast %parallel_loop3A_431 : i32 to vector<16xi32>
          %parallel_loop3A_433 = arith.addi %parallel_loop3A_430, %parallel_loop3A_432 : vector<16xi32>
          %parallel_loop3A_434 = arith.constant 63 : i32
          %parallel_loop3A_435 = vector.broadcast %parallel_loop3A_434 : i32 to vector<16xi32>
          %parallel_loop3A_436 = arith.andi %parallel_loop3A_433, %parallel_loop3A_435 : vector<16xi32>
          %parallel_loop3A_437 = arith.constant 4 : i32
          %parallel_loop3A_438 = arith.constant 0 : i32
          %parallel_loop3A_439 = arith.constant 0 : i32
          %parallel_loop3A_440 = tpu.memref_slice %arg9[%parallel_loop3A_437, %parallel_loop3A_438, %parallel_loop3A_439] : memref<5x80x64xi32, #tpu.memory_space<vmem>> -> memref<1x80x64xi32, #tpu.memory_space<vmem>>
          %parallel_loop3A_441 = tpu.memref_squeeze %parallel_loop3A_440 : memref<1x80x64xi32, #tpu.memory_space<vmem>> -> memref<80x64xi32, #tpu.memory_space<vmem>>
          %parallel_loop3A_442 = tpu.vector_load_idx %parallel_loop3A_441[%parallel_loop3A_349, %parallel_loop3A_436] : memref<80x64xi32, #tpu.memory_space<vmem>>[vector<16xi32>, vector<16xi32>], vector<16xi32>,
          %parallel_loop3A_443 = arith.constant 4 : i32
          %parallel_loop3A_444 = arith.constant 0 : i32
          %parallel_loop3A_445 = arith.constant 0 : i32
          %parallel_loop3A_446 = tpu.memref_slice %arg10[%parallel_loop3A_443, %parallel_loop3A_444, %parallel_loop3A_445] : memref<5x80x64xi32, #tpu.memory_space<vmem>> -> memref<1x80x64xi32, #tpu.memory_space<vmem>>
          %parallel_loop3A_447 = tpu.memref_squeeze %parallel_loop3A_446 : memref<1x80x64xi32, #tpu.memory_space<vmem>> -> memref<80x64xi32, #tpu.memory_space<vmem>>
          %parallel_loop3A_448 = tpu.vector_load_idx %parallel_loop3A_447[%parallel_loop3A_349, %parallel_loop3A_436] : memref<80x64xi32, #tpu.memory_space<vmem>>[vector<16xi32>, vector<16xi32>], vector<16xi32>,
          %parallel_loop3A_449 = vector.bitcast %parallel_loop3A_442 : vector<16xi32> to vector<32xbf16>
          %parallel_loop3A_450 = vector.bitcast %parallel_loop3A_448 : vector<16xi32> to vector<32xbf16>
          %parallel_loop3A_451 = arith.mulf %parallel_loop3A_449, %parallel_loop3A_450 : vector<32xbf16>
          %parallel_loop3A_452 = arith.addf %parallel_loop3A_426, %parallel_loop3A_451 : vector<32xbf16>
          %parallel_loop3A_453 = arith.constant 4 : i32
          %parallel_loop3A_454 = arith.muli %parallel_loop3A_374, %parallel_loop3A_453 : i32
          %parallel_loop3A_455 = vector.broadcast %parallel_loop3A_454 : i32 to vector<16xi32>
          %parallel_loop3A_456 = arith.addi %iota3A, %parallel_loop3A_455 : vector<16xi32>
          %parallel_loop3A_457 = arith.constant 3 : i32
          %parallel_loop3A_458 = vector.broadcast %parallel_loop3A_457 : i32 to vector<16xi32>
          %parallel_loop3A_459 = arith.addi %parallel_loop3A_456, %parallel_loop3A_458 : vector<16xi32>
          %parallel_loop3A_460 = arith.constant 63 : i32
          %parallel_loop3A_461 = vector.broadcast %parallel_loop3A_460 : i32 to vector<16xi32>
          %parallel_loop3A_462 = arith.andi %parallel_loop3A_459, %parallel_loop3A_461 : vector<16xi32>
          %parallel_loop3A_463 = arith.constant 4 : i32
          %parallel_loop3A_464 = arith.constant 0 : i32
          %parallel_loop3A_465 = arith.constant 0 : i32
          %parallel_loop3A_466 = tpu.memref_slice %arg9[%parallel_loop3A_463, %parallel_loop3A_464, %parallel_loop3A_465] : memref<5x80x64xi32, #tpu.memory_space<vmem>> -> memref<1x80x64xi32, #tpu.memory_space<vmem>>
          %parallel_loop3A_467 = tpu.memref_squeeze %parallel_loop3A_466 : memref<1x80x64xi32, #tpu.memory_space<vmem>> -> memref<80x64xi32, #tpu.memory_space<vmem>>
          %parallel_loop3A_468 = tpu.vector_load_idx %parallel_loop3A_467[%parallel_loop3A_349, %parallel_loop3A_462] : memref<80x64xi32, #tpu.memory_space<vmem>>[vector<16xi32>, vector<16xi32>], vector<16xi32>,
          %parallel_loop3A_469 = arith.constant 4 : i32
          %parallel_loop3A_470 = arith.constant 0 : i32
          %parallel_loop3A_471 = arith.constant 0 : i32
          %parallel_loop3A_472 = tpu.memref_slice %arg10[%parallel_loop3A_469, %parallel_loop3A_470, %parallel_loop3A_471] : memref<5x80x64xi32, #tpu.memory_space<vmem>> -> memref<1x80x64xi32, #tpu.memory_space<vmem>>
          %parallel_loop3A_473 = tpu.memref_squeeze %parallel_loop3A_472 : memref<1x80x64xi32, #tpu.memory_space<vmem>> -> memref<80x64xi32, #tpu.memory_space<vmem>>
          %parallel_loop3A_474 = tpu.vector_load_idx %parallel_loop3A_473[%parallel_loop3A_349, %parallel_loop3A_462] : memref<80x64xi32, #tpu.memory_space<vmem>>[vector<16xi32>, vector<16xi32>], vector<16xi32>,
          %parallel_loop3A_475 = vector.bitcast %parallel_loop3A_468 : vector<16xi32> to vector<32xbf16>
          %parallel_loop3A_476 = vector.bitcast %parallel_loop3A_474 : vector<16xi32> to vector<32xbf16>
          %parallel_loop3A_477 = arith.mulf %parallel_loop3A_475, %parallel_loop3A_476 : vector<32xbf16>
          %parallel_loop3A_478 = arith.addf %parallel_loop3A_452, %parallel_loop3A_477 : vector<32xbf16>
          %parallel_loop3A_479 = tpu.unpack_subelements %parallel_loop3A_478, 0 {pack_format = #tpu.pack_format<interleaved>} : vector<32xbf16> -> vector<16xf32>
          %parallel_loop3A_480 = tpu.unpack_subelements %parallel_loop3A_478, 1 {pack_format = #tpu.pack_format<interleaved>} : vector<32xbf16> -> vector<16xf32>
          %parallel_loop3A_481 = arith.addf %parallel_loop3A_375, %parallel_loop3A_479 : vector<16xf32>
          %parallel_loop3A_482 = arith.addf %parallel_loop3A_481, %parallel_loop3A_480 : vector<16xf32>
          scf.yield %parallel_loop3A_482 : vector<16xf32>
        } {sc.loop_unroll_factor = 1 : i64, sc.parallel_access}
        %parallel_loop3A_356 = arith.constant 16 : i32
        %parallel_loop3A_357 = arith.muli %parallel_loop3A_345, %parallel_loop3A_356 : i32
        %parallel_loop3A_358 = arith.addi %mul3A_336, %parallel_loop3A_357 : i32
        %parallel_loop3A_359 = arith.index_cast %parallel_loop3A_358 : i32 to index
        %parallel_loop3A_360 = tpu.vector_load %arg11[%parallel_loop3A_359] {strides = array<i32>} : memref<10000xf32, #tpu.memory_space<vmem>>, vector<16xf32>,
        %parallel_loop3A_361 = arith.constant 1.000000e+00 : f32
        %parallel_loop3A_362 = vector.broadcast %parallel_loop3A_361 : f32 to vector<16xf32>
        %parallel_loop3A_363 = arith.addf %parallel_loop3A_355, %parallel_loop3A_362 : vector<16xf32>
        %parallel_loop3A_364 = arith.constant 5.000000e-01 : f32
        %parallel_loop3A_365 = vector.broadcast %parallel_loop3A_364 : f32 to vector<16xf32>
        %parallel_loop3A_366 = arith.mulf %parallel_loop3A_363, %parallel_loop3A_365 : vector<16xf32>
        %parallel_loop3A_367 = arith.subf %parallel_loop3A_366, %parallel_loop3A_360 : vector<16xf32>
        %parallel_loop3A_368 = arith.mulf %parallel_loop3A_367, %parallel_loop3A_367 : vector<16xf32>
        %parallel_loop3A_369 = arith.constant 16 : i32
        %parallel_loop3A_370 = arith.muli %parallel_loop3A_345, %parallel_loop3A_369 : i32
        %parallel_loop3A_371 = arith.addi %mul3A_336, %parallel_loop3A_370 : i32
        %parallel_loop3A_372 = arith.index_cast %parallel_loop3A_371 : i32 to index
        %parallel_loop3A_373 = tpu.vector_load %arg12[%parallel_loop3A_372] {strides = array<i32>} : memref<10000xf32, #tpu.memory_space<vmem>>, vector<16xf32>,
        tpu.vector_store %arg12[%parallel_loop3A_372], %parallel_loop3A_368 {strides = array<i32>} : memref<10000xf32, #tpu.memory_space<vmem>>, vector<16xf32>,
      } {sc.loop_unroll_factor = 1 : i64, sc.parallel_access}
      %lt3A_340 = arith.constant 24 : i32
      %lt3A_341 = arith.cmpi slt, %scan3A_148, %lt3A_340 : i32
      %convert_element_type3A_342 = arith.extui %lt3A_341 : i1 to i32
      %cond3A_343 = arith.constant 0 : i32
      %cond3A_344 = arith.cmpi ne, %convert_element_type3A_342, %cond3A_343 : i32
      scf.if %cond3A_344 {
        %add3A_345 = arith.constant 5 : i32
        %add3A_346 = arith.addi %add3A_308, %add3A_345 : i32
        %mul3A_347 = arith.constant 80 : i32
        %mul3A_348 = arith.muli %add3A_346, %mul3A_347 : i32
        %dma_start3A_349 = arith.constant 4 : i32
        %dma_start3A_350 = arith.constant 4 : i32
        %dma_start3A_351 = arith.constant 0 : i32
        %dma_start3A_352 = arith.constant 0 : i32
        %dma_start3A_353 = tpu.memref_slice %arg9[%dma_start3A_349, %dma_start3A_351, %dma_start3A_352] : memref<5x80x64xi32, #tpu.memory_space<vmem>> -> memref<1x80x64xi32, #tpu.memory_space<vmem>>
        %dma_start3A_354 = tpu.memref_squeeze %dma_start3A_353 : memref<1x80x64xi32, #tpu.memory_space<vmem>> -> memref<80x64xi32, #tpu.memory_space<vmem>>
        %dma_start3A_355 = tpu.memref_slice %arg7[%mul3A_348] : memref<10000xi32, #tpu.memory_space<vmem>> -> memref<80xi32, #tpu.memory_space<vmem>>
        %dma_start3A_356 = arith.constant 0 : i32
        %dma_start3A_357 = arith.constant 0 : i32
        %dma_start3A_358 = tpu.memref_slice %arg2[%dma_start3A_356, %dma_start3A_357] : memref<10000x64xi32, #tpu.memory_space<hbm>> -> memref<10000x64xi32, #tpu.memory_space<hbm>>
        %dma_start3A_359 = tpu.memref_slice %arg14[%dma_start3A_350] : memref<5x!tpu.dma_semaphore, #tpu.memory_space<semaphore_mem>> -> memref<1x!tpu.dma_semaphore, #tpu.memory_space<semaphore_mem>>
        %dma_start3A_360 = tpu.memref_squeeze %dma_start3A_359 : memref<1x!tpu.dma_semaphore, #tpu.memory_space<semaphore_mem>> -> memref<!tpu.dma_semaphore, #tpu.memory_space<semaphore_mem>>
        tpu.enqueue_indirect_dma source(%dma_start3A_358 : memref<10000x64xi32, #tpu.memory_space<hbm>>) target(%dma_start3A_354 : memref<80x64xi32, #tpu.memory_space<vmem>>) offsets(%dma_start3A_355 : memref<80xi32, #tpu.memory_space<vmem>>) semaphore(%dma_start3A_360 : memref<!tpu.dma_semaphore, #tpu.memory_space<semaphore_mem>>)
        %dma_start3A_361 = arith.constant 4 : i32
        %dma_start3A_362 = arith.constant 4 : i32
        %dma_start3A_363 = arith.constant 0 : i32
        %dma_start3A_364 = arith.constant 0 : i32
        %dma_start3A_365 = tpu.memref_slice %arg10[%dma_start3A_361, %dma_start3A_363, %dma_start3A_364] : memref<5x80x64xi32, #tpu.memory_space<vmem>> -> memref<1x80x64xi32, #tpu.memory_space<vmem>>
        %dma_start3A_366 = tpu.memref_squeeze %dma_start3A_365 : memref<1x80x64xi32, #tpu.memory_space<vmem>> -> memref<80x64xi32, #tpu.memory_space<vmem>>
        %dma_start3A_367 = tpu.memref_slice %arg8[%mul3A_348] : memref<10000xi32, #tpu.memory_space<vmem>> -> memref<80xi32, #tpu.memory_space<vmem>>
        %dma_start3A_368 = arith.constant 0 : i32
        %dma_start3A_369 = arith.constant 0 : i32
        %dma_start3A_370 = tpu.memref_slice %arg2[%dma_start3A_368, %dma_start3A_369] : memref<10000x64xi32, #tpu.memory_space<hbm>> -> memref<10000x64xi32, #tpu.memory_space<hbm>>
        %dma_start3A_371 = tpu.memref_slice %arg14[%dma_start3A_362] : memref<5x!tpu.dma_semaphore, #tpu.memory_space<semaphore_mem>> -> memref<1x!tpu.dma_semaphore, #tpu.memory_space<semaphore_mem>>
        %dma_start3A_372 = tpu.memref_squeeze %dma_start3A_371 : memref<1x!tpu.dma_semaphore, #tpu.memory_space<semaphore_mem>> -> memref<!tpu.dma_semaphore, #tpu.memory_space<semaphore_mem>>
        tpu.enqueue_indirect_dma source(%dma_start3A_370 : memref<10000x64xi32, #tpu.memory_space<hbm>>) target(%dma_start3A_366 : memref<80x64xi32, #tpu.memory_space<vmem>>) offsets(%dma_start3A_367 : memref<80xi32, #tpu.memory_space<vmem>>) semaphore(%dma_start3A_372 : memref<!tpu.dma_semaphore, #tpu.memory_space<semaphore_mem>>)
      } else {
      }
    }
    %scan3A_147 = arith.constant 25 : i32
    "tpu.region"() ({
      %run_scoped3A = tpu.sem_alloc : memref<!tpu.dma_semaphore, #tpu.memory_space<semaphore_mem>>
      %dma_start3A_148 = tpu.memref_slice %arg6[%mul3A_2] : memref<320000xf32, #tpu.memory_space<hbm>> -> memref<10000xf32, #tpu.memory_space<hbm>>
      %dma_start3A_149 = tpu.memref_slice %arg6[%mul3A_2] : memref<320000xf32, #tpu.memory_space<hbm>> -> memref<10000xf32, #tpu.memory_space<hbm>>
      tpu.enqueue_dma source(%arg12 : memref<10000xf32, #tpu.memory_space<vmem>>) target(%dma_start3A_149 : memref<10000xf32, #tpu.memory_space<hbm>>) target_semaphore(%run_scoped3A : memref<!tpu.dma_semaphore, #tpu.memory_space<semaphore_mem>>)
      %dma_wait3A_150 = tpu.memref_slice %arg6[%mul3A_2] : memref<320000xf32, #tpu.memory_space<hbm>> -> memref<10000xf32, #tpu.memory_space<hbm>>
      %dma_wait3A_151 = tpu.memref_slice %arg6[%mul3A_2] : memref<320000xf32, #tpu.memory_space<hbm>> -> memref<10000xf32, #tpu.memory_space<hbm>>
      tpu.wait_dma2 semaphore(%run_scoped3A : memref<!tpu.dma_semaphore, #tpu.memory_space<semaphore_mem>>) src(%arg12 : memref<10000xf32, #tpu.memory_space<vmem>>) dst(%dma_wait3A_151 : memref<10000xf32, #tpu.memory_space<hbm>>)
      tpu.yield
    }) : () -> ()
    return
  }
}

</mosaic_0001>

<sc_bundles>
// kernel: _edge_loss.3.cloned.1.call-start
scs
__scs_entry_jumppad:
0x0: {  	(pc) =	sbr.rel $0x88, $3  }
0x1: {  	(tag) =	ssettag $0x0;
	lr =	simm.s32 $0x1  }
0x2: {  	[smem:$0x3F9D] =	sst lr;
	_ =	strace $0xD0000000  }
0x3: {  	_ = 	snop  }
0x4: {  	_ = 	snop  }
0x5: {  	_ = 	snop  }
0x6: {  	_ = 	snop  }
0x7: {  	_ = 	snop  }
__scs_overlays_trampoline_lowered:
0x8: {  	[smem:$0x3FAC] =	sst s0  }
0x9: {  	[smem:$0x3FAD] =	sst s1  }
0xa: {  	[smem:$0x3FAE] =	sst s2  }
0xb: {  	[smem:$0x3FAF] =	sst s3  }
0xc: {  	[smem:$0x3FB0] =	sst s4  }
0xd: {  	[smem:$0x3FB1] =	sst s5  }
0xe: {  	[smem:$0x3FB2] =	sst s6  }
0xf: {  	[smem:$0x3FB3] =	sst s7  }
0x10: {  	[smem:$0x3FB4] =	sst s8  }
0x11: {  	[smem:$0x3FB5] =	sst s9;
	s0 =	simm.s32 @!p0 $0x0  }
0x12: {  	s1 =	sld [smem:$0x3F9B];
	s0 =	simm.s32 @p0 $0x1  }
0x13: {  	[smem:$0x3FB6] =	sst s0;
	s0 =	simm.s32 @!p1 $0x0  }
0x14: {  	s2 =	sld [smem:$0x3F9A];
	s0 =	simm.s32 @p1 $0x1  }
0x15: {  	[smem:$0x3FB7] =	sst s0;
	s0 =	simm.s32 @!p2 $0x0  }
0x16: {  	s3 =	sld [smem:$0x3FDB];
	s0 =	simm.s32 @p2 $0x1  }
0x17: {  	s4 =	simm.s32 $0x1BF5;
	[smem:$0x3FB9] =	sst s0  }
0x18: {  	s0 =	sld [smem:$0x3F9C];
	_ =	swait.ge [sflag:s4], $0x0  }
0x19: {  	s7 =	sld [smem:$0x3F9D]  }
0x1a: {  	s8 =	sadd.s32 $0xFFFFE003, lr  }
0x1b: {  	s9 =	sadd.s32 $0xFFFFFEF7, lr;
	s5 =	simm.s32 $0xFFFFFFFF;
	p2 =	slt.u32 s8, $0xFFFFF086  }
0x1c: {  	p1 =	slt.u32 s9, $0xF7A;
	s5 =	simm.s32 @!p2 $0x0  }
0x1d: {  	s5 =	simm.s32 @p1 $0x1;
	p0 =	seq.s32 s7, s2  }
0x1e: {  	s7 =	smul.u32 @!p0 $0xF7A, s2;
	p2 =	seq.s32 @!p0 s5, $0x0  }
0x1f: {  	s9 =	smul.u32 $0xF7A, s1;
	s8 =	simm.s32 @!p0 $0x1BF5;
	p2 =	por !p2, p0  }
0x20: {  	[sflag:s8] =	ssyncset.s32 @!p0 $0xFFFFF086;
	s6 =	sadd.s32 @!p0 s3, s7;
	s7 =	simm.s32 @!p0 $0x108  }
0x21: {  	s3 =	sadd.s32 s3, s9;
	s6 =	sadd.s32 @!p0 $0x88, s6;
	s7 =	simm.s32 @p2 $0x1082  }
0x22: {  	[simem:s7], [sflag:s8] =	dma.local @!p0 [hbm:s6], $0xF7A  }
0x23: {  	s9 =	sor.u32 $0xD0000000, s2;
	s6 =	simm.s32 $0x108;
	_ =	swait.ge @!p0 [sflag:s8], $0x0  }
0x24: {  	s3 =	sadd.s32 $0x88, s3;
	s6 =	simm.s32 @!p1 $0x1082;
	[sflag:s4] =	ssyncset.s32 $0xFFFFF086  }
0x25: {  	[simem:s6], [sflag:s4] =	dma.local [hbm:s3], $0xF7A  }
0x26: {  	[smem:$0x3F9D] =	sst s1;
	(tag) =	ssettag s2;
	_ =	strace s9  }
0x27: {  	s1 =	sld [smem:$0x3FAD]  }
0x28: {  	s2 =	sld [smem:$0x3FAE]  }
0x29: {  	s4 =	sld [smem:$0x3FB0]  }
0x2a: {  	p0 =	seq.s32 s5, $0x0;
	s5 =	sld [smem:$0x3FB1]  }
0x2b: {  	s6 =	sld [smem:$0x3FB2]  }
0x2c: {  	s7 =	sld [smem:$0x3FB3]  }
0x2d: {  	s3 =	simm.s32 $0x108;
	s8 =	sld [smem:$0x3FB4]  }
0x2e: {  	s3 =	simm.s32 @!p0 $0x1082;
	s9 =	sld [smem:$0x3FB5]  }
0x2f: {  	lr =	sadd.s32 s0, s3;
	s0 =	sld [smem:$0x3FAC]  }
0x30: {  	s3 =	sld [smem:$0x3FAF]  }
0x31: {  	[smem:$0x3FB8] =	sst s10  }
0x32: {  	s10 =	sld [smem:$0x3FB6];
	_ =	sdelay $0x3  }
0x33: {  	p0 =	seq.s32 s10, $0x1;
	s10 =	sld [smem:$0x3FB8];
	_ =	sdelay $0x3  }
0x34: {  	[smem:$0x3FB8] =	sst s10  }
0x35: {  	s10 =	sld [smem:$0x3FB7];
	_ =	sdelay $0x3  }
0x36: {  	p1 =	seq.s32 s10, $0x1;
	s10 =	sld [smem:$0x3FB8];
	_ =	sdelay $0x3  }
0x37: {  	[smem:$0x3FB8] =	sst s10  }
0x38: {  	s10 =	sld [smem:$0x3FB9]  }
0x39: {  	_ = 	snop;
	(pc) =	sbr.ind lr, $3  }
0x3a: {  	_ = 	snop  }
0x3b: {  	_ = 	snop  }
0x3c: {  	p2 =	seq.s32 s10, $0x1;
	s10 =	sld [smem:$0x3FB8]  }
0x3d: {  	_ =	shalt  }
0x3e: {  	_ =	shalt  }
0x3f: {  	_ =	shalt  }
0x40: {  	_ =	shalt  }
0x41: {  	_ =	shalt  }
0x42: {  	_ =	shalt  }
0x43: {  	_ =	shalt  }
0x44: {  	_ =	shalt  }
0x45: {  	_ =	shalt  }
0x46: {  	_ =	shalt  }
0x47: {  	_ =	shalt  }
0x48: {  	_ =	shalt  }
0x49: {  	_ =	shalt  }
0x4a: {  	_ =	shalt  }
0x4b: {  	_ =	shalt  }
0x4c: {  	_ =	shalt  }
0x4d: {  	_ =	shalt  }
0x4e: {  	_ =	shalt  }
0x4f: {  	_ =	shalt  }
0x50: {  	_ =	shalt  }
0x51: {  	_ =	shalt  }
0x52: {  	_ =	shalt  }
0x53: {  	_ =	shalt  }
0x54: {  	_ =	shalt  }
0x55: {  	_ =	shalt  }
0x56: {  	_ =	shalt  }
0x57: {  	_ =	shalt  }
0x58: {  	_ =	shalt  }
0x59: {  	_ =	shalt  }
0x5a: {  	_ =	shalt  }
0x5b: {  	_ =	shalt  }
0x5c: {  	_ =	shalt  }
0x5d: {  	_ =	shalt  }
0x5e: {  	_ =	shalt  }
0x5f: {  	_ =	shalt  }
0x60: {  	_ =	shalt  }
0x61: {  	_ =	shalt  }
0x62: {  	_ =	shalt  }
0x63: {  	_ =	shalt  }
0x64: {  	_ =	shalt  }
0x65: {  	_ =	shalt  }
0x66: {  	_ =	shalt  }
0x67: {  	_ =	shalt  }
0x68: {  	_ =	shalt  }
0x69: {  	_ =	shalt  }
0x6a: {  	_ =	shalt  }
0x6b: {  	_ =	shalt  }
0x6c: {  	_ =	shalt  }
0x6d: {  	_ =	shalt  }
0x6e: {  	_ =	shalt  }
0x6f: {  	_ =	shalt  }
0x70: {  	_ =	shalt  }
0x71: {  	_ =	shalt  }
0x72: {  	_ =	shalt  }
0x73: {  	_ =	shalt  }
0x74: {  	_ =	shalt  }
0x75: {  	_ =	shalt  }
0x76: {  	_ =	shalt  }
0x77: {  	_ =	shalt  }
0x78: {  	_ =	shalt  }
0x79: {  	_ =	shalt  }
0x7a: {  	_ =	shalt  }
0x7b: {  	_ =	shalt  }
0x7c: {  	_ =	shalt  }
0x7d: {  	_ =	shalt  }
0x7e: {  	_ =	shalt  }
0x7f: {  	_ =	shalt  }
0x80: {  	_ =	shalt  }
0x81: {  	_ =	shalt  }
0x82: {  	_ =	shalt  }
0x83: {  	_ =	shalt  }
0x84: {  	_ =	shalt  }
0x85: {  	_ =	shalt  }
0x86: {  	_ =	shalt  }
0x87: {  	_ =	shalt  }
.Lfunc_end0:
.L_simem_size_0:
called_computation_lowered:
.L_overlay_start_0:
0x88: {  	s2 =	sld [smem:$0x3FD9]  }
0x89: {  	s3 =	sld [smem:$0x3FFE];
	_ =	sdelay $0x1  }
0x8a: {  	s1 =	srdreg.scid  }
0x8b: {  	s0 =	sand.u32 $0x1, s1  }
0x8c: {  	s17 =	sshll.u32 s0, $0xA;
	s2 =	sadd.s32 s3, s2  }
0x8d: {  	s2 =	sadd.s32 s2, s17  }
0x8e: {  	[smem:$0x3FC4] =	sst s2  }
0x8f: {  	_ = 	snop  }
0x90: {  	s2 =	sld [smem:$0x3FC8]  }
0x91: {  	s18 =	sld [smem:$0x3FC7]  }
0x92: {  	s4 =	sld [smem:$0x3FC6]  }
0x93: {  	s5 =	sld [smem:$0x3FD0];
	(tm) =	ssettm $0x1  }
0x94: {  	s6 =	sld [smem:$0x3FFB];
	_ =	sdelay $0x3  }
0x95: {  	_ =	strace s6  }
0x96: {  	s6 =	sld [smem:$0x3FFC];
	_ =	sdelay $0x3  }
0x97: {  	_ =	strace s6  }
0x98: {  	s6 =	sld [smem:$0x3FFD];
	_ =	sdelay $0x3  }
0x99: {  	_ =	strace s6  }
0x9a: {  	_ =	strace $0x8FFFFFFF  }
0x9b: {  	s19 =	sld [smem:$0x3FDB];
	_ =	sdelay $0x1  }
0x9c: {  	s7 =	simm.s32 $_scs_section_size  }
0x9d: {  	s8 =	simm.s32 $_size__tile_overlayer_lowered;
	s9 =	simm.s32 $_tile_overlayer_lowered  }
0x9e: {  	s22 =	simm.s32 $0x1BFF;
	s21 =	sshll.u32 s9, $0x1;
	s6 =	sadd.s32 s7, s19  }
0x9f: {  	s10 =	simm.s32 $0x0;
	s20 =	sshll.u32 s8, $0x1;
	s8 =	sadd.s32 s21, s6  }
0xa0: {  	[timem:s10], [sflag:s22] =	dma.local [hbm:s8], s20  }
0xa1: {  	_ =	swait.ge [sflag:s22], s20  }
0xa2: {  	s7 =	ssub.s32 $0x0, s20;
	[sflag:s22] =	ssyncset.done $0x0  }
0xa3: {  	[sflag:s22] =	ssyncadd.s32 s7;
	_ =	sdelay $0x1  }
0xa4: {  	s23 =	simm.s32 $0x1B8B  }
0xa5: {  	_ =	swait.ge [sflag:s23], $0x1  }
0xa6: {  	[sflag:s23] =	ssyncset.done $0x0  }
0xa7: {  	s25 =	simm.s32 $0x1B8E;
	s24 =	sld [smem:$0x3FFE];
	[sflag:s23] =	ssyncadd.s32 $0xFFFFFFFF  }
0xa8: {  	s26 =	simm.s32 $execute0_lowered;
	[smem:$0x3FD2] =	sst s25  }
0xa9: {  	s8 =	sshll.u32 s26, $0x1;
	_ =	strace $0x80000046;
	[dreg:$0x1] =	wrdreg $0xFFFFFFFF  }
0xaa: {  	s28 =	simm.s32 $_size_execute0_lowered;
	s6 =	sadd.s32 s6, s8;
	[dreg:$0x0] =	wrdreg $0x0  }
0xab: {  	s8 =	sshll.u32 s28, $0x1;
	[dreg:$0x2] =	wrdreg s6  }
0xac: {  	[dreg:$0x3] =	wrdreg s8  }
0xad: {  	[dreg:$0x4] =	wrdreg $0xC0  }
0xae: {  	_ =	task [dreg:s10], $0x5FFFF  }
0xaf: {  	[dreg:$0x1] =	wrdreg $0xFFFFFFFF  }
0xb0: {  	[dreg:$0x0] =	wrdreg $0x60  }
0xb1: {  	[dreg:$0x2] =	wrdreg s24  }
0xb2: {  	[dreg:$0x3] =	wrdreg s2  }
0xb3: {  	[dreg:$0x4] =	wrdreg s18  }
0xb4: {  	[dreg:$0x5] =	wrdreg s4  }
0xb5: {  	[dreg:$0x6] =	wrdreg s5  }
0xb6: {  	[dreg:$0x7] =	wrdreg $0x9  }
0xb7: {  	_ =	task.clear_ibuf [dreg:s10], $0x8FFFF;
	_ =	strace $0x90000046  }
0xb8: {  	s29 =	simm.s32 $0x9;
	_ =	strace $0x80000048  }
0xb9: {  	_ =	swait.ge [sflag:s29], $0x1  }
0xba: {  	[sflag:s29] =	ssyncadd.s32 $0xFFFFFFFF  }
0xbb: {  	_ =	strace $0x90000048  }
0xbc: {  	_ =	sfence  }
0xbd: {  	s30 =	sld [smem:$0x0];
	_ =	sdelay $0x2  }
0xbe: {  	s31 =	sshll.u32 s1, $0xD;
	s1 =	sshrl.u32 s1, $0x2  }
0xbf: {  	s3 =	sand.u32 $0x4000, s31;
	s1 =	sadd.s32 s1, s30  }
0xc0: {  	s0 =	sor.u32 s3, s0;
	s1 =	sshll.u32 s1, $0x11  }
0xc1: {  	s0 =	sor.u32 s1, s0  }
0xc2: {  	s0 =	sadd.s32 $0x8F2B, s0  }
0xc3: {  	[sflag:s0] =	ssyncadd.remote.s32 $0x1  }
0xc4: {  	_ =	sfence.sel $0xFFFF  }
0xc5: {  	[dreg:$0x0] =	wrdreg $0xFFFFFFFF;
	(pc) =	sbr.abs _section_cstart, $3  }
0xc6: {  	[dreg:$0x1] =	wrdreg $0xFFFFFFFF  }
0xc7: {  	_ =	task.clear_ibuf [dreg:s10], $0x2FFFF;
	_ =	strace $0x9FFFFFFF  }
0xc8: {  	(tm) =	ssettm $0x7FFFFFFF  }
0xc9: {  	_ =	shalt  }
tec
execute0_lowered:
.L_overlay_start_1:
0x0: {  	(tag) =	ssettag $0x1  }
0x1: {  	s0 =	rddreg [dreg:$0x0]  }
0x2: {  	s1 =	rddreg [dreg:$0x1]  }
0x3: {  	s4 =	rddreg [dreg:$0x2]  }
0x4: {  	s5 =	rddreg [dreg:$0x3]  }
0x5: {  	s2 =	srdreg.scid;
	s6 =	stileid.u32  }
0x6: {  	s7 =	rddreg [dreg:$0x4];
	s11 =	simm.s32 $0x1;
	s12 =	simm.s32 $0x50  }
0x7: {  	s13 =	simm.s32 $0x4E20;
	s14 =	simm.s32 $0xB220;
	s15 =	simm.s32 $0x6220  }
0x8: {  	s17 =	simm.s32 $0xC620;
	s19 =	simm.s32 $0x7620;
	s21 =	simm.s32 $0xDA20  }
0x9: {  	s23 =	simm.s32 $0x8A20;
	s28 =	simm.s32 $0x9E20;
	s30 =	simm.s32 $0x10220  }
0xa: {  	s31 =	simm.s32 $0x2;
	s10 =	simm.s32 $0x5;
	s16 =	simm.s32 $0x6  }
0xb: {  	s20 =	simm.s32 $0x7;
	s3 =	sand.u32 $0x1, s2;
	s6 =	sshll.u32 s6, $0x1  }
0xc: {  	s22 =	simm.s32 $0x0;
	s2 =	simm.s32 $0x0;
	s6 =	sor.u32 s3, s6  }
0xd: {  	[smem:$0x7FF] =	sst s2;
	s8 =	ssub.s32 $0x2, s3;
	s9 =	smul.u32 $0x4E2, s6  }
.Ltmp0:
0xe: {  	s3 =	sadd.s32 $0x400, s0;
	s25 =	sshrl.u32 s8, $0x1;
	(pc) =	sbr.rel .LBB2_1-.Ltmp0, $4  }
0xf: {  	s0 =	simm.s32 $0x4;
	_ =	strace $0x80000047;
	s26 =	ssub.s32 s8, s25  }
0x10: {  	v0 =	vlaneseq.u32;
	s25 =	simm.s32 $0xEE20;
	s1 =	sadd.s32 s1, s9;
	s29 =	sadd.s32 s4, s9  }
0x11: {  	v1 =	vmul.u32 $0x40, v0;
	s6 =	sadd.s32 s5, s9;
	s7 =	sadd.s32 s7, s9;
	[dreg:$0x6] =	wrdreg s1  }
0x12: {  	v2 =	vadd.s32 $0x1, v0;
	v3 =	vadd.s32 $0x2, v0;
	v4 =	vadd.s32 $0x3, v0;
	s8 =	smax.u32 s26, $0x1;
	[dreg:$0x7] =	wrdreg s29;
	s1 =	simm.s32 $0x3  }
.LBB2_24:
0x13: {  	s22 =	sadd.s32 $0x1, s22  }
0x14: {  	p0 =	sne.s32 s22, s8  }
.Ltmp1:
0x15: {  	s4 =	simm.s32 $0x13D30;
	(pc) =	sbr.rel @!p0 .LBB2_25-.Ltmp1, $4  }
0x16: {  	[hbm4b:s7+s2] =	stream.linear.scatter [tilespmem:s4], [sflag:$0x7], $0x2710, $0x38;
	[tilespmem:$0x16440] =	vst v63  }
0x17: {  	_ =	swait.ge [sflag:s20], $0x2710  }
0x18: {  	[sflag:s20] =	ssyncset.done $0x0  }
0x19: {  	[sflag:s20] =	ssyncadd.s32 $0xFFFFD8F0  }
.LBB2_1:
0x1a: {  	s4 =	rddreg [dreg:$0x6]  }
0x1b: {  	[tilespmem:s2], [sflag:$0x1] =	stream.linear.gather [hbm4b:s4+s2], $0x2710, $0x38;
	[tilespmem:$0x16440] =	vst v63  }
0x1c: {  	s24 =	rddreg [dreg:$0x7];
	s5 =	simm.s32 $0x2710  }
0x1d: {  	[tilespmem:s5], [sflag:$0x1] =	stream.linear.gather [hbm4b:s24+s2], $0x2710, $0x38;
	[tilespmem:$0x16440] =	vst v63  }
0x1e: {  	s26 =	simm.s32 $0x11620  }
0x1f: {  	[tilespmem:s26], [sflag:$0x1] =	stream.linear.gather [hbm4b:s6+s2], $0x2710, $0x38;
	[tilespmem:$0x16440] =	vst v63  }
0x20: {  	_ =	swait.ge [sflag:s11], $0x2710  }
0x21: {  	[sflag:s11] =	ssyncset.done $0x0  }
0x22: {  	[sflag:s11] =	ssyncadd.s32 $0xFFFFD8F0  }
0x23: {  	_ =	swait.ge [sflag:s11], $0x2710  }
0x24: {  	[sflag:s11] =	ssyncset.done $0x0  }
0x25: {  	[sflag:s11] =	ssyncadd.s32 $0xFFFFD8F0  }
0x26: {  	_ =	swait.ge [sflag:s11], $0x2710  }
0x27: {  	[sflag:s11] =	ssyncset.done $0x0  }
0x28: {  	[sflag:s11] =	ssyncadd.s32 $0xFFFFD8F0  }
0x29: {  	[tilespmem:s13], [sflag:$0x2] =	stream.indirect.gather [hbm4b:s3+s12], $0x40, s2, s12, $0xb8;
	[tilespmem:$0x16440] =	vst v63  }
0x2a: {  	_ = 	snop  }
0x2b: {  	[tilespmem:s14], [sflag:$0x2] =	stream.indirect.gather [hbm4b:s3+s12], $0x40, s5, s12, $0xb8;
	[tilespmem:$0x16440] =	vst v63  }
0x2c: {  	_ = 	snop  }
0x2d: {  	[tilespmem:s15], [sflag:$0x3] =	stream.indirect.gather [hbm4b:s3+s12], $0x40, s12, s12, $0xb8;
	[tilespmem:$0x16440] =	vst v63  }
0x2e: {  	s29 =	simm.s32 $0x2760  }
0x2f: {  	[tilespmem:s17], [sflag:$0x3] =	stream.indirect.gather [hbm4b:s3+s12], $0x40, s29, s12, $0xb8;
	[tilespmem:$0x16440] =	vst v63  }
0x30: {  	s5 =	simm.s32 $0xA0  }
0x31: {  	[tilespmem:s19], [sflag:$0x4] =	stream.indirect.gather [hbm4b:s3+s12], $0x40, s5, s12, $0xb8;
	[tilespmem:$0x16440] =	vst v63  }
0x32: {  	s9 =	simm.s32 $0x27B0  }
0x33: {  	[tilespmem:s21], [sflag:$0x4] =	stream.indirect.gather [hbm4b:s3+s12], $0x40, s9, s12, $0xb8;
	[tilespmem:$0x16440] =	vst v63  }
0x34: {  	s18 =	simm.s32 $0xF0  }
0x35: {  	[tilespmem:s23], [sflag:$0x5] =	stream.indirect.gather [hbm4b:s3+s12], $0x40, s18, s12, $0xb8;
	[tilespmem:$0x16440] =	vst v63  }
0x36: {  	s24 =	simm.s32 $0x2800  }
0x37: {  	[tilespmem:s25], [sflag:$0x5] =	stream.indirect.gather [hbm4b:s3+s12], $0x40, s24, s12, $0xb8;
	[tilespmem:$0x16440] =	vst v63  }
0x38: {  	s26 =	simm.s32 $0x140  }
0x39: {  	[tilespmem:s28], [sflag:$0x6] =	stream.indirect.gather [hbm4b:s3+s12], $0x40, s26, s12, $0xb8;
	[tilespmem:$0x16440] =	vst v63  }
0x3a: {  	s29 =	simm.s32 $0x2850;
	s24 =	simm.s32 $0x0  }
0x3b: {  	[tilespmem:s30], [sflag:$0x6] =	stream.indirect.gather [hbm4b:s3+s12], $0x40, s29, s12, $0xb8;
	[tilespmem:$0x16440] =	vst v63  }
.LBB2_2:
0x3c: {  	_ =	swait.ge [sflag:s31], $0x1400  }
0x3d: {  	[sflag:s31] =	ssyncset.done $0x0  }
0x3e: {  	[sflag:s31] =	ssyncadd.s32 $0xFFFFEC00  }
0x3f: {  	s26 =	smul.u32 $0x190, s24;
	_ =	swait.ge [sflag:s31], $0x1400  }
0x40: {  	[sflag:s31] =	ssyncset.done $0x0  }
0x41: {  	s29 =	simm.s32 $0x0;
	s18 =	simm.s32 $0x0;
	v5 =	vmov s26;
	[sflag:s31] =	ssyncadd.s32 $0xFFFFEC00  }
.LBB2_3:
0x42: {  	s9 =	sshll.u32 s18, $0x4  }
0x43: {  	v6 =	vmov s9  }
0x44: {  	v7 =	vadd.s32 s29, v0;
	v6 =	vshll.u32 v6, $0x6  }
0x45: {  	v7 =	vand.u32 $0x3F, v7;
	v6 =	vor.u32 v1, v6  }
0x46: {  	v8 =	vadd.s32 s29, v2;
	v7 =	vor.u32 v6, v7  }
0x47: {  	v8 =	vand.u32 $0x3F, v8  }
0x48: {  	v9 =	vadd.s32 s29, v3;
	v8 =	vor.u32 v6, v8  }
0x49: {  	v9 =	vand.u32 $0x3F, v9  }
0x4a: {  	v10 =	vadd.s32 s29, v4;
	v9 =	vor.u32 v6, v9  }
0x4b: {  	s5 =	simm.s32 $0x4;
	v10 =	vand.u32 $0x3F, v10;
	v12 =	vld.idx.msk [tilespmem:v7+s13+$0x0], $0xffff  }
0x4c: {  	v11 =	vadd.s32 s5, v0;
	v10 =	vor.u32 v6, v10;
	v13 =	vld.idx.msk [tilespmem:v7+s14+$0x0], $0xffff  }
0x4d: {  	v7 =	vand.u32 $0x3F, v11;
	v14 =	vld.idx.msk [tilespmem:v8+s13+$0x0], $0xffff  }
0x4e: {  	v8 =	vld.idx.msk [tilespmem:v8+s14+$0x0], $0xffff;
	v15 =	vor.u32 v6, v7;
	v7 =	vadd.s32 s5, v2  }
0x4f: {  	v19 =	vld.idx.msk [tilespmem:v9+s13+$0x0], $0xffff;
	v7 =	vand.u32 $0x3F, v7  }
0x50: {  	v11 =	vadd.s32 s5, v3;
	v20 =	vld.idx.msk [tilespmem:v9+s14+$0x0], $0xffff;
	v18 =	vor.u32 v6, v7  }
0x51: {  	v9 =	vand.u32 $0x3F, v11;
	v11 =	vld.idx.msk [tilespmem:v10+s14+$0x0], $0xffff  }
0x52: {  	s4 =	simm.s32 $0x8;
	v16 =	vor.u32 v6, v9;
	v9 =	vadd.s32 s5, v4;
	v7 =	vld.idx.msk [tilespmem:v10+s13+$0x0], $0xffff  }
0x53: {  	v17 =	vadd.s32 s4, v0;
	v21 =	vand.u32 $0x3F, v9;
	v13 =	vmul.bf16 v13, v12;
	v10 =	vld.idx.msk [tilespmem:v15+s13+$0x0], $0xffff  }
0x54: {  	v22 =	vmul.bf16 v8, v14;
	v14 =	vand.u32 $0x3F, v17;
	v17 =	vor.u32 v6, v21;
	v9 =	vld.idx.msk [tilespmem:v15+s14+$0x0], $0xffff  }
0x55: {  	v21 =	vadd.s32 s4, v2;
	v12 =	vld.idx.msk [tilespmem:v18+s13+$0x0], $0xffff  }
0x56: {  	v19 =	vmul.bf16 v20, v19;
	v14 =	vor.u32 v6, v14;
	v15 =	vld.idx.msk [tilespmem:v18+s14+$0x0], $0xffff;
	v18 =	vadd.bf16 v22, v13  }
0x57: {  	s5 =	simm.s32 $0xC;
	v8 =	vimm.f32 $0.0e+00;
	v20 =	vadd.s32 s4, v3;
	v21 =	vand.u32 $0x3F, v21;
	v13 =	vld.idx.msk [tilespmem:v16+s13+$0x0], $0xffff  }
.LBB2_4:
0x58: {  	p0 =	sne.s32 s5, $0x3C;
	v21 =	vor.u32 v6, v21;
	v22 =	vld.idx.msk [tilespmem:v16+s14+$0x0], $0xffff;
	v18 =	vadd.bf16 v19, v18;
	v19 =	vmul.bf16 v11, v7  }
0x59: {  	v23 =	vadd.s32 s5, v0;
	v11 =	vand.u32 $0x3F, v20;
	v20 =	vadd.s32 s4, v4;
	v24 =	vmovc v10;
	s4 =	smov.u32 s5;
	v7 =	vld.idx.msk [tilespmem:v17+s13+$0x0], $0xffff  }
0x5a: {  	v16 =	vor.u32 v6, v11;
	v20 =	vand.u32 $0x3F, v20;
	v11 =	vld.idx.msk [tilespmem:v17+s14+$0x0], $0xffff;
	v25 =	vadd.bf16 v19, v18  }
.Ltmp2:
0x5b: {  	v18 =	vand.u32 $0x3F, v23;
	v17 =	vor.u32 v6, v20;
	v10 =	vld.idx.msk [tilespmem:v14+s13+$0x0], $0xffff;
	(pc) =	sbr.rel @p0 .LBB2_4-.Ltmp2, $4  }
0x5c: {  	v19 =	vmul.bf16 v9, v24;
	v20 =	vmul.bf16 v15, v12;
	v9 =	vld.idx.msk [tilespmem:v14+s14+$0x0], $0xffff;
	v15 =	vunpack.i.l.bf16.f32 v25  }
0x5d: {  	v23 =	vadd.s32 s5, v2;
	v14 =	vor.u32 v6, v18;
	v12 =	vld.idx.msk [tilespmem:v21+s13+$0x0], $0xffff;
	v8 =	vadd.f32 v15, v8  }
0x5e: {  	v18 =	vadd.bf16 v20, v19;
	v19 =	vmul.bf16 v22, v13;
	v22 =	vunpack.i.u.bf16.f32 v25;
	v15 =	vld.idx.msk [tilespmem:v21+s14+$0x0], $0xffff  }
0x5f: {  	s5 =	sadd.s32 $0x4, s5;
	v20 =	vadd.s32 s4, v3;
	v21 =	vand.u32 $0x3F, v23;
	v13 =	vld.idx.msk [tilespmem:v16+s13+$0x0], $0xffff;
	v8 =	vadd.f32 v8, v22  }
0x60: {  	_ =	sdelay $0x3  }
0x61: {  	v21 =	vor.u32 v6, v21;
	v16 =	vld.idx.msk [tilespmem:v16+s14+$0x0], $0xffff  }
0x62: {  	v20 =	vand.u32 $0x3F, v20;
	v22 =	vld.idx.msk [tilespmem:v17+s13+$0x0], $0xffff  }
0x63: {  	v23 =	vadd.s32 s4, v4;
	v49 =	vld.idx.msk [tilespmem:v17+s14+$0x0], $0xffff;
	v20 =	vor.u32 v6, v20  }
0x64: {  	v24 =	vld.idx.msk [tilespmem:v14+s13+$0x0], $0xffff;
	v23 =	vand.u32 $0x3F, v23  }
0x65: {  	v50 =	vld.idx.msk [tilespmem:v14+s14+$0x0], $0xffff;
	v6 =	vor.u32 v6, v23  }
0x66: {  	v51 =	vld.idx.msk [tilespmem:v21+s13+$0x0], $0xffff  }
0x67: {  	v18 =	vadd.bf16 v19, v18;
	v7 =	vmul.bf16 v11, v7;
	v52 =	vld.idx.msk [tilespmem:v21+s14+$0x0], $0xffff  }
0x68: {  	v9 =	vmul.bf16 v9, v10;
	v53 =	vmul.bf16 v15, v12;
	v54 =	vld.idx.msk [tilespmem:v20+s13+$0x0], $0xffff  }
0x69: {  	v7 =	vadd.bf16 v7, v18;
	v55 =	vld.idx.msk [tilespmem:v20+s14+$0x0], $0xffff  }
0x6a: {  	v9 =	vadd.bf16 v53, v9;
	v56 =	vmul.bf16 v16, v13;
	v57 =	vld.idx.msk [tilespmem:v6+s13+$0x0], $0xffff  }
0x6b: {  	v58 =	vunpack.i.l.bf16.f32 v7;
	v17 =	vmul.bf16 v49, v22;
	v6 =	vld.idx.msk [tilespmem:v6+s14+$0x0], $0xffff  }
0x6c: {  	v59 =	vmul.bf16 v50, v24;
	v9 =	vadd.bf16 v56, v9;
	v11 =	vmul.bf16 v52, v51  }
0x6d: {  	v7 =	vunpack.i.u.bf16.f32 v7;
	v8 =	vadd.f32 v58, v8  }
0x6e: {  	v9 =	vadd.bf16 v17, v9;
	v60 =	vmul.bf16 v55, v54;
	v10 =	vadd.bf16 v11, v59  }
0x6f: {  	v7 =	vadd.f32 v8, v7  }
0x70: {  	v61 =	vunpack.i.l.bf16.f32 v9;
	v6 =	vmul.bf16 v6, v57;
	v10 =	vadd.bf16 v60, v10  }
0x71: {  	v7 =	vadd.f32 v61, v7  }
0x72: {  	v62 =	vunpack.i.u.bf16.f32 v9;
	v6 =	vadd.bf16 v6, v10  }
0x73: {  	v7 =	vadd.f32 v7, v62  }
0x74: {  	v63 =	vunpack.i.l.bf16.f32 v6  }
0x75: {  	v7 =	vadd.f32 v63, v7  }
0x76: {  	v6 =	vunpack.i.u.bf16.f32 v6  }
0x77: {  	v6 =	vadd.f32 v7, v6  }
0x78: {  	v7 =	vld.idx.msk [tilespmem:v5+s9+$0x11620 ss:$0x1], $0xffff  }
0x79: {  	v6 =	vadd.f32 $1.000000000e+00, v6;
	_ =	sdelay $0x1  }
0x7a: {  	s18 =	sadd.s32 $0x1, s18;
	v6 =	vmul.f32 $5.000000000e-01, v6  }
0x7b: {  	p0 =	sne.s32 s18, $0x5  }
.Ltmp3:
0x7c: {  	v6 =	vsub.f32 v6, v7;
	(pc) =	sbr.rel @p0 .LBB2_3-.Ltmp3, $3  }
0x7d: {  	_ = 	snop  }
0x7e: {  	v6 =	vmul.f32 v6, v6;
	_ =	sdelay $0x1  }
0x7f: {  	[tilespmem:v5+s9+$0x13D30 ss:$0x1] =	vst.idx.msk $0xffff, v6  }
0x80: {  	p0 =	seq.s32 s24, $0x18  }
0x81: {  	s4 =	sadd.s32 @!p0 $0x190, s26;
	s5 =	simm.s32 @!p0 $0x50;
	s9 =	simm.s32 @!p0 $0x4E20  }
0x82: {  	[tilespmem:s9], [sflag:$0x2] =	stream.indirect.gather @!p0 [hbm4b:s3+s5], $0x40, s4, s5, $0xb8;
	[tilespmem:$0x16440] =	vst v63  }
0x83: {  	s4 =	sadd.s32 @!p0 $0x28A0, s26;
	s9 =	simm.s32 @!p0 $0xB220  }
0x84: {  	[tilespmem:s9], [sflag:$0x2] =	stream.indirect.gather @!p0 [hbm4b:s3+s5], $0x40, s4, s5, $0xb8;
	[tilespmem:$0x16440] =	vst v63  }
0x85: {  	_ =	swait.ge [sflag:s1], $0x1400  }
0x86: {  	[sflag:s1] =	ssyncset.done $0x0  }
0x87: {  	[sflag:s1] =	ssyncadd.s32 $0xFFFFEC00  }
0x88: {  	_ =	swait.ge [sflag:s1], $0x1400  }
0x89: {  	s18 =	sadd.s32 $0x50, s26;
	[sflag:s1] =	ssyncset.done $0x0  }
0x8a: {  	s29 =	simm.s32 $0x0;
	v5 =	vmov s18;
	s18 =	simm.s32 $0x0;
	[sflag:s1] =	ssyncadd.s32 $0xFFFFEC00  }
.LBB2_7:
0x8b: {  	s9 =	sshll.u32 s18, $0x4  }
0x8c: {  	v6 =	vmov s9  }
0x8d: {  	v7 =	vadd.s32 s29, v0;
	v6 =	vshll.u32 v6, $0x6  }
0x8e: {  	v7 =	vand.u32 $0x3F, v7;
	v6 =	vor.u32 v1, v6  }
0x8f: {  	v8 =	vadd.s32 s29, v2;
	v7 =	vor.u32 v6, v7  }
0x90: {  	v8 =	vand.u32 $0x3F, v8  }
0x91: {  	v9 =	vadd.s32 s29, v3;
	v8 =	vor.u32 v6, v8  }
0x92: {  	v9 =	vand.u32 $0x3F, v9  }
0x93: {  	v10 =	vadd.s32 s29, v4;
	v9 =	vor.u32 v6, v9  }
0x94: {  	s5 =	simm.s32 $0x4;
	v10 =	vand.u32 $0x3F, v10;
	v12 =	vld.idx.msk [tilespmem:v7+s15+$0x0], $0xffff  }
0x95: {  	v11 =	vadd.s32 s5, v0;
	v10 =	vor.u32 v6, v10;
	v13 =	vld.idx.msk [tilespmem:v7+s17+$0x0], $0xffff  }
0x96: {  	v7 =	vand.u32 $0x3F, v11;
	v14 =	vld.idx.msk [tilespmem:v8+s15+$0x0], $0xffff  }
0x97: {  	v8 =	vld.idx.msk [tilespmem:v8+s17+$0x0], $0xffff;
	v15 =	vor.u32 v6, v7;
	v7 =	vadd.s32 s5, v2  }
0x98: {  	v19 =	vld.idx.msk [tilespmem:v9+s15+$0x0], $0xffff;
	v7 =	vand.u32 $0x3F, v7  }
0x99: {  	v11 =	vadd.s32 s5, v3;
	v20 =	vld.idx.msk [tilespmem:v9+s17+$0x0], $0xffff;
	v18 =	vor.u32 v6, v7  }
0x9a: {  	v9 =	vand.u32 $0x3F, v11;
	v11 =	vld.idx.msk [tilespmem:v10+s17+$0x0], $0xffff  }
0x9b: {  	s4 =	simm.s32 $0x8;
	v16 =	vor.u32 v6, v9;
	v9 =	vadd.s32 s5, v4;
	v7 =	vld.idx.msk [tilespmem:v10+s15+$0x0], $0xffff  }
0x9c: {  	v17 =	vadd.s32 s4, v0;
	v21 =	vand.u32 $0x3F, v9;
	v13 =	vmul.bf16 v13, v12;
	v10 =	vld.idx.msk [tilespmem:v15+s15+$0x0], $0xffff  }
0x9d: {  	v22 =	vmul.bf16 v8, v14;
	v14 =	vand.u32 $0x3F, v17;
	v17 =	vor.u32 v6, v21;
	v9 =	vld.idx.msk [tilespmem:v15+s17+$0x0], $0xffff  }
0x9e: {  	v21 =	vadd.s32 s4, v2;
	v12 =	vld.idx.msk [tilespmem:v18+s15+$0x0], $0xffff  }
0x9f: {  	v19 =	vmul.bf16 v20, v19;
	v14 =	vor.u32 v6, v14;
	v15 =	vld.idx.msk [tilespmem:v18+s17+$0x0], $0xffff;
	v18 =	vadd.bf16 v22, v13  }
0xa0: {  	s5 =	simm.s32 $0xC;
	v8 =	vimm.f32 $0.0e+00;
	v20 =	vadd.s32 s4, v3;
	v21 =	vand.u32 $0x3F, v21;
	v13 =	vld.idx.msk [tilespmem:v16+s15+$0x0], $0xffff  }
.LBB2_8:
0xa1: {  	p1 =	sne.s32 s5, $0x3C;
	v21 =	vor.u32 v6, v21;
	v22 =	vld.idx.msk [tilespmem:v16+s17+$0x0], $0xffff;
	v18 =	vadd.bf16 v19, v18;
	v19 =	vmul.bf16 v11, v7  }
0xa2: {  	v23 =	vadd.s32 s5, v0;
	v11 =	vand.u32 $0x3F, v20;
	v20 =	vadd.s32 s4, v4;
	v24 =	vmovc v10;
	s4 =	smov.u32 s5;
	v7 =	vld.idx.msk [tilespmem:v17+s15+$0x0], $0xffff  }
0xa3: {  	v16 =	vor.u32 v6, v11;
	v20 =	vand.u32 $0x3F, v20;
	v11 =	vld.idx.msk [tilespmem:v17+s17+$0x0], $0xffff;
	v25 =	vadd.bf16 v19, v18  }
.Ltmp4:
0xa4: {  	v18 =	vand.u32 $0x3F, v23;
	v17 =	vor.u32 v6, v20;
	v10 =	vld.idx.msk [tilespmem:v14+s15+$0x0], $0xffff;
	(pc) =	sbr.rel @p1 .LBB2_8-.Ltmp4, $4  }
0xa5: {  	v19 =	vmul.bf16 v9, v24;
	v20 =	vmul.bf16 v15, v12;
	v9 =	vld.idx.msk [tilespmem:v14+s17+$0x0], $0xffff;
	v15 =	vunpack.i.l.bf16.f32 v25  }
0xa6: {  	v23 =	vadd.s32 s5, v2;
	v14 =	vor.u32 v6, v18;
	v12 =	vld.idx.msk [tilespmem:v21+s15+$0x0], $0xffff;
	v8 =	vadd.f32 v15, v8  }
0xa7: {  	v18 =	vadd.bf16 v20, v19;
	v19 =	vmul.bf16 v22, v13;
	v22 =	vunpack.i.u.bf16.f32 v25;
	v15 =	vld.idx.msk [tilespmem:v21+s17+$0x0], $0xffff  }
0xa8: {  	s5 =	sadd.s32 $0x4, s5;
	v20 =	vadd.s32 s4, v3;
	v21 =	vand.u32 $0x3F, v23;
	v13 =	vld.idx.msk [tilespmem:v16+s15+$0x0], $0xffff;
	v8 =	vadd.f32 v8, v22  }
0xa9: {  	_ =	sdelay $0x3  }
0xaa: {  	v21 =	vor.u32 v6, v21;
	v16 =	vld.idx.msk [tilespmem:v16+s17+$0x0], $0xffff  }
0xab: {  	v20 =	vand.u32 $0x3F, v20;
	v22 =	vld.idx.msk [tilespmem:v17+s15+$0x0], $0xffff  }
0xac: {  	v23 =	vadd.s32 s4, v4;
	v49 =	vld.idx.msk [tilespmem:v17+s17+$0x0], $0xffff;
	v20 =	vor.u32 v6, v20  }
0xad: {  	v24 =	vld.idx.msk [tilespmem:v14+s15+$0x0], $0xffff;
	v23 =	vand.u32 $0x3F, v23  }
0xae: {  	v50 =	vld.idx.msk [tilespmem:v14+s17+$0x0], $0xffff;
	v6 =	vor.u32 v6, v23  }
0xaf: {  	v51 =	vld.idx.msk [tilespmem:v21+s15+$0x0], $0xffff  }
0xb0: {  	v18 =	vadd.bf16 v19, v18;
	v7 =	vmul.bf16 v11, v7;
	v52 =	vld.idx.msk [tilespmem:v21+s17+$0x0], $0xffff  }
0xb1: {  	v9 =	vmul.bf16 v9, v10;
	v53 =	vmul.bf16 v15, v12;
	v54 =	vld.idx.msk [tilespmem:v20+s15+$0x0], $0xffff  }
0xb2: {  	v7 =	vadd.bf16 v7, v18;
	v55 =	vld.idx.msk [tilespmem:v20+s17+$0x0], $0xffff  }
0xb3: {  	v9 =	vadd.bf16 v53, v9;
	v56 =	vmul.bf16 v16, v13;
	v57 =	vld.idx.msk [tilespmem:v6+s15+$0x0], $0xffff  }
0xb4: {  	v58 =	vunpack.i.l.bf16.f32 v7;
	v17 =	vmul.bf16 v49, v22;
	v6 =	vld.idx.msk [tilespmem:v6+s17+$0x0], $0xffff  }
0xb5: {  	v59 =	vmul.bf16 v50, v24;
	v9 =	vadd.bf16 v56, v9;
	v11 =	vmul.bf16 v52, v51  }
0xb6: {  	v7 =	vunpack.i.u.bf16.f32 v7;
	v8 =	vadd.f32 v58, v8  }
0xb7: {  	v9 =	vadd.bf16 v17, v9;
	v60 =	vmul.bf16 v55, v54;
	v10 =	vadd.bf16 v11, v59  }
0xb8: {  	v7 =	vadd.f32 v8, v7  }
0xb9: {  	v61 =	vunpack.i.l.bf16.f32 v9;
	v6 =	vmul.bf16 v6, v57;
	v10 =	vadd.bf16 v60, v10  }
0xba: {  	v7 =	vadd.f32 v61, v7  }
0xbb: {  	v62 =	vunpack.i.u.bf16.f32 v9;
	v6 =	vadd.bf16 v6, v10  }
0xbc: {  	v7 =	vadd.f32 v7, v62  }
0xbd: {  	v63 =	vunpack.i.l.bf16.f32 v6  }
0xbe: {  	v7 =	vadd.f32 v63, v7  }
0xbf: {  	v6 =	vunpack.i.u.bf16.f32 v6  }
0xc0: {  	v6 =	vadd.f32 v7, v6  }
0xc1: {  	v7 =	vld.idx.msk [tilespmem:v5+s9+$0x11620 ss:$0x1], $0xffff  }
0xc2: {  	v6 =	vadd.f32 $1.000000000e+00, v6;
	_ =	sdelay $0x1  }
0xc3: {  	s18 =	sadd.s32 $0x1, s18;
	v6 =	vmul.f32 $5.000000000e-01, v6  }
0xc4: {  	p1 =	sne.s32 s18, $0x5  }
.Ltmp5:
0xc5: {  	v6 =	vsub.f32 v6, v7;
	(pc) =	sbr.rel @p1 .LBB2_7-.Ltmp5, $3  }
0xc6: {  	_ = 	snop  }
0xc7: {  	v6 =	vmul.f32 v6, v6;
	_ =	sdelay $0x1  }
0xc8: {  	[tilespmem:v5+s9+$0x13D30 ss:$0x1] =	vst.idx.msk $0xffff, v6  }
0xc9: {  	s4 =	sadd.s32 @!p0 $0x1E0, s26;
	s5 =	simm.s32 @!p0 $0x50;
	s9 =	simm.s32 @!p0 $0x6220  }
0xca: {  	[tilespmem:s9], [sflag:$0x3] =	stream.indirect.gather @!p0 [hbm4b:s3+s5], $0x40, s4, s5, $0xb8;
	[tilespmem:$0x16440] =	vst v63  }
0xcb: {  	s4 =	sadd.s32 @!p0 $0x28F0, s26;
	s9 =	simm.s32 @!p0 $0xC620  }
0xcc: {  	[tilespmem:s9], [sflag:$0x3] =	stream.indirect.gather @!p0 [hbm4b:s3+s5], $0x40, s4, s5, $0xb8;
	[tilespmem:$0x16440] =	vst v63  }
0xcd: {  	_ =	swait.ge [sflag:s0], $0x1400  }
0xce: {  	[sflag:s0] =	ssyncset.done $0x0  }
0xcf: {  	[sflag:s0] =	ssyncadd.s32 $0xFFFFEC00  }
0xd0: {  	_ =	swait.ge [sflag:s0], $0x1400  }
0xd1: {  	s18 =	sadd.s32 $0xA0, s26;
	[sflag:s0] =	ssyncset.done $0x0  }
0xd2: {  	s29 =	simm.s32 $0x0;
	v5 =	vmov s18;
	s18 =	simm.s32 $0x0;
	[sflag:s0] =	ssyncadd.s32 $0xFFFFEC00  }
.LBB2_11:
0xd3: {  	s9 =	sshll.u32 s18, $0x4  }
0xd4: {  	v6 =	vmov s9  }
0xd5: {  	v7 =	vadd.s32 s29, v0;
	v6 =	vshll.u32 v6, $0x6  }
0xd6: {  	v7 =	vand.u32 $0x3F, v7;
	v6 =	vor.u32 v1, v6  }
0xd7: {  	v8 =	vadd.s32 s29, v2;
	v7 =	vor.u32 v6, v7  }
0xd8: {  	v8 =	vand.u32 $0x3F, v8  }
0xd9: {  	v9 =	vadd.s32 s29, v3;
	v8 =	vor.u32 v6, v8  }
0xda: {  	v9 =	vand.u32 $0x3F, v9  }
0xdb: {  	v10 =	vadd.s32 s29, v4;
	v9 =	vor.u32 v6, v9  }
0xdc: {  	s5 =	simm.s32 $0x4;
	v10 =	vand.u32 $0x3F, v10;
	v12 =	vld.idx.msk [tilespmem:v7+s19+$0x0], $0xffff  }
0xdd: {  	v11 =	vadd.s32 s5, v0;
	v10 =	vor.u32 v6, v10;
	v13 =	vld.idx.msk [tilespmem:v7+s21+$0x0], $0xffff  }
0xde: {  	v7 =	vand.u32 $0x3F, v11;
	v14 =	vld.idx.msk [tilespmem:v8+s19+$0x0], $0xffff  }
0xdf: {  	v8 =	vld.idx.msk [tilespmem:v8+s21+$0x0], $0xffff;
	v15 =	vor.u32 v6, v7;
	v7 =	vadd.s32 s5, v2  }
0xe0: {  	v19 =	vld.idx.msk [tilespmem:v9+s19+$0x0], $0xffff;
	v7 =	vand.u32 $0x3F, v7  }
0xe1: {  	v11 =	vadd.s32 s5, v3;
	v20 =	vld.idx.msk [tilespmem:v9+s21+$0x0], $0xffff;
	v18 =	vor.u32 v6, v7  }
0xe2: {  	v9 =	vand.u32 $0x3F, v11;
	v11 =	vld.idx.msk [tilespmem:v10+s21+$0x0], $0xffff  }
0xe3: {  	s4 =	simm.s32 $0x8;
	v16 =	vor.u32 v6, v9;
	v9 =	vadd.s32 s5, v4;
	v7 =	vld.idx.msk [tilespmem:v10+s19+$0x0], $0xffff  }
0xe4: {  	v17 =	vadd.s32 s4, v0;
	v21 =	vand.u32 $0x3F, v9;
	v13 =	vmul.bf16 v13, v12;
	v10 =	vld.idx.msk [tilespmem:v15+s19+$0x0], $0xffff  }
0xe5: {  	v22 =	vmul.bf16 v8, v14;
	v14 =	vand.u32 $0x3F, v17;
	v17 =	vor.u32 v6, v21;
	v9 =	vld.idx.msk [tilespmem:v15+s21+$0x0], $0xffff  }
0xe6: {  	v21 =	vadd.s32 s4, v2;
	v12 =	vld.idx.msk [tilespmem:v18+s19+$0x0], $0xffff  }
0xe7: {  	v19 =	vmul.bf16 v20, v19;
	v14 =	vor.u32 v6, v14;
	v15 =	vld.idx.msk [tilespmem:v18+s21+$0x0], $0xffff;
	v18 =	vadd.bf16 v22, v13  }
0xe8: {  	s5 =	simm.s32 $0xC;
	v8 =	vimm.f32 $0.0e+00;
	v20 =	vadd.s32 s4, v3;
	v21 =	vand.u32 $0x3F, v21;
	v13 =	vld.idx.msk [tilespmem:v16+s19+$0x0], $0xffff  }
.LBB2_12:
0xe9: {  	p1 =	sne.s32 s5, $0x3C;
	v21 =	vor.u32 v6, v21;
	v22 =	vld.idx.msk [tilespmem:v16+s21+$0x0], $0xffff;
	v18 =	vadd.bf16 v19, v18;
	v19 =	vmul.bf16 v11, v7  }
0xea: {  	v23 =	vadd.s32 s5, v0;
	v11 =	vand.u32 $0x3F, v20;
	v20 =	vadd.s32 s4, v4;
	v24 =	vmovc v10;
	s4 =	smov.u32 s5;
	v7 =	vld.idx.msk [tilespmem:v17+s19+$0x0], $0xffff  }
0xeb: {  	v16 =	vor.u32 v6, v11;
	v20 =	vand.u32 $0x3F, v20;
	v11 =	vld.idx.msk [tilespmem:v17+s21+$0x0], $0xffff;
	v25 =	vadd.bf16 v19, v18  }
.Ltmp6:
0xec: {  	v18 =	vand.u32 $0x3F, v23;
	v17 =	vor.u32 v6, v20;
	v10 =	vld.idx.msk [tilespmem:v14+s19+$0x0], $0xffff;
	(pc) =	sbr.rel @p1 .LBB2_12-.Ltmp6, $4  }
0xed: {  	v19 =	vmul.bf16 v9, v24;
	v20 =	vmul.bf16 v15, v12;
	v9 =	vld.idx.msk [tilespmem:v14+s21+$0x0], $0xffff;
	v15 =	vunpack.i.l.bf16.f32 v25  }
0xee: {  	v23 =	vadd.s32 s5, v2;
	v14 =	vor.u32 v6, v18;
	v12 =	vld.idx.msk [tilespmem:v21+s19+$0x0], $0xffff;
	v8 =	vadd.f32 v15, v8  }
0xef: {  	v18 =	vadd.bf16 v20, v19;
	v19 =	vmul.bf16 v22, v13;
	v22 =	vunpack.i.u.bf16.f32 v25;
	v15 =	vld.idx.msk [tilespmem:v21+s21+$0x0], $0xffff  }
0xf0: {  	s5 =	sadd.s32 $0x4, s5;
	v20 =	vadd.s32 s4, v3;
	v21 =	vand.u32 $0x3F, v23;
	v13 =	vld.idx.msk [tilespmem:v16+s19+$0x0], $0xffff;
	v8 =	vadd.f32 v8, v22  }
0xf1: {  	_ =	sdelay $0x3  }
0xf2: {  	v21 =	vor.u32 v6, v21;
	v16 =	vld.idx.msk [tilespmem:v16+s21+$0x0], $0xffff  }
0xf3: {  	v20 =	vand.u32 $0x3F, v20;
	v22 =	vld.idx.msk [tilespmem:v17+s19+$0x0], $0xffff  }
0xf4: {  	v23 =	vadd.s32 s4, v4;
	v49 =	vld.idx.msk [tilespmem:v17+s21+$0x0], $0xffff;
	v20 =	vor.u32 v6, v20  }
0xf5: {  	v24 =	vld.idx.msk [tilespmem:v14+s19+$0x0], $0xffff;
	v23 =	vand.u32 $0x3F, v23  }
0xf6: {  	v50 =	vld.idx.msk [tilespmem:v14+s21+$0x0], $0xffff;
	v6 =	vor.u32 v6, v23  }
0xf7: {  	v51 =	vld.idx.msk [tilespmem:v21+s19+$0x0], $0xffff  }
0xf8: {  	v18 =	vadd.bf16 v19, v18;
	v7 =	vmul.bf16 v11, v7;
	v52 =	vld.idx.msk [tilespmem:v21+s21+$0x0], $0xffff  }
0xf9: {  	v9 =	vmul.bf16 v9, v10;
	v53 =	vmul.bf16 v15, v12;
	v54 =	vld.idx.msk [tilespmem:v20+s19+$0x0], $0xffff  }
0xfa: {  	v7 =	vadd.bf16 v7, v18;
	v55 =	vld.idx.msk [tilespmem:v20+s21+$0x0], $0xffff  }
0xfb: {  	v9 =	vadd.bf16 v53, v9;
	v56 =	vmul.bf16 v16, v13;
	v57 =	vld.idx.msk [tilespmem:v6+s19+$0x0], $0xffff  }
0xfc: {  	v58 =	vunpack.i.l.bf16.f32 v7;
	v17 =	vmul.bf16 v49, v22;
	v6 =	vld.idx.msk [tilespmem:v6+s21+$0x0], $0xffff  }
0xfd: {  	v59 =	vmul.bf16 v50, v24;
	v9 =	vadd.bf16 v56, v9;
	v11 =	vmul.bf16 v52, v51  }
0xfe: {  	v7 =	vunpack.i.u.bf16.f32 v7;
	v8 =	vadd.f32 v58, v8  }
0xff: {  	v9 =	vadd.bf16 v17, v9;
	v60 =	vmul.bf16 v55, v54;
	v10 =	vadd.bf16 v11, v59  }
0x100: {  	v7 =	vadd.f32 v8, v7  }
0x101: {  	v61 =	vunpack.i.l.bf16.f32 v9;
	v6 =	vmul.bf16 v6, v57;
	v10 =	vadd.bf16 v60, v10  }
0x102: {  	v7 =	vadd.f32 v61, v7  }
0x103: {  	v62 =	vunpack.i.u.bf16.f32 v9;
	v6 =	vadd.bf16 v6, v10  }
0x104: {  	v7 =	vadd.f32 v7, v62  }
0x105: {  	v63 =	vunpack.i.l.bf16.f32 v6  }
0x106: {  	v7 =	vadd.f32 v63, v7  }
0x107: {  	v6 =	vunpack.i.u.bf16.f32 v6  }
0x108: {  	v6 =	vadd.f32 v7, v6  }
0x109: {  	v7 =	vld.idx.msk [tilespmem:v5+s9+$0x11620 ss:$0x1], $0xffff  }
0x10a: {  	v6 =	vadd.f32 $1.000000000e+00, v6;
	_ =	sdelay $0x1  }
0x10b: {  	s18 =	sadd.s32 $0x1, s18;
	v6 =	vmul.f32 $5.000000000e-01, v6  }
0x10c: {  	p1 =	sne.s32 s18, $0x5  }
.Ltmp7:
0x10d: {  	v6 =	vsub.f32 v6, v7;
	(pc) =	sbr.rel @p1 .LBB2_11-.Ltmp7, $3  }
0x10e: {  	_ = 	snop  }
0x10f: {  	v6 =	vmul.f32 v6, v6;
	_ =	sdelay $0x1  }
0x110: {  	[tilespmem:v5+s9+$0x13D30 ss:$0x1] =	vst.idx.msk $0xffff, v6  }
0x111: {  	s4 =	sadd.s32 @!p0 $0x230, s26;
	s5 =	simm.s32 @!p0 $0x50;
	s9 =	simm.s32 @!p0 $0x7620  }
0x112: {  	[tilespmem:s9], [sflag:$0x4] =	stream.indirect.gather @!p0 [hbm4b:s3+s5], $0x40, s4, s5, $0xb8;
	[tilespmem:$0x16440] =	vst v63  }
0x113: {  	s4 =	sadd.s32 @!p0 $0x2940, s26;
	s9 =	simm.s32 @!p0 $0xDA20  }
0x114: {  	[tilespmem:s9], [sflag:$0x4] =	stream.indirect.gather @!p0 [hbm4b:s3+s5], $0x40, s4, s5, $0xb8;
	[tilespmem:$0x16440] =	vst v63  }
0x115: {  	_ =	swait.ge [sflag:s10], $0x1400  }
0x116: {  	[sflag:s10] =	ssyncset.done $0x0  }
0x117: {  	[sflag:s10] =	ssyncadd.s32 $0xFFFFEC00  }
0x118: {  	_ =	swait.ge [sflag:s10], $0x1400  }
0x119: {  	s18 =	sadd.s32 $0xF0, s26;
	[sflag:s10] =	ssyncset.done $0x0  }
0x11a: {  	s29 =	simm.s32 $0x0;
	v5 =	vmov s18;
	s18 =	simm.s32 $0x0;
	[sflag:s10] =	ssyncadd.s32 $0xFFFFEC00  }
.LBB2_15:
0x11b: {  	s9 =	sshll.u32 s18, $0x4  }
0x11c: {  	v6 =	vmov s9  }
0x11d: {  	v7 =	vadd.s32 s29, v0;
	v6 =	vshll.u32 v6, $0x6  }
0x11e: {  	v7 =	vand.u32 $0x3F, v7;
	v6 =	vor.u32 v1, v6  }
0x11f: {  	v8 =	vadd.s32 s29, v2;
	v7 =	vor.u32 v6, v7  }
0x120: {  	v8 =	vand.u32 $0x3F, v8  }
0x121: {  	v9 =	vadd.s32 s29, v3;
	v8 =	vor.u32 v6, v8  }
0x122: {  	v9 =	vand.u32 $0x3F, v9  }
0x123: {  	v10 =	vadd.s32 s29, v4;
	v9 =	vor.u32 v6, v9  }
0x124: {  	s5 =	simm.s32 $0x4;
	v10 =	vand.u32 $0x3F, v10;
	v12 =	vld.idx.msk [tilespmem:v7+s23+$0x0], $0xffff  }
0x125: {  	v11 =	vadd.s32 s5, v0;
	v10 =	vor.u32 v6, v10;
	v13 =	vld.idx.msk [tilespmem:v7+s25+$0x0], $0xffff  }
0x126: {  	v7 =	vand.u32 $0x3F, v11;
	v14 =	vld.idx.msk [tilespmem:v8+s23+$0x0], $0xffff  }
0x127: {  	v8 =	vld.idx.msk [tilespmem:v8+s25+$0x0], $0xffff;
	v15 =	vor.u32 v6, v7;
	v7 =	vadd.s32 s5, v2  }
0x128: {  	v19 =	vld.idx.msk [tilespmem:v9+s23+$0x0], $0xffff;
	v7 =	vand.u32 $0x3F, v7  }
0x129: {  	v11 =	vadd.s32 s5, v3;
	v20 =	vld.idx.msk [tilespmem:v9+s25+$0x0], $0xffff;
	v18 =	vor.u32 v6, v7  }
0x12a: {  	v9 =	vand.u32 $0x3F, v11;
	v11 =	vld.idx.msk [tilespmem:v10+s25+$0x0], $0xffff  }
0x12b: {  	s4 =	simm.s32 $0x8;
	v16 =	vor.u32 v6, v9;
	v9 =	vadd.s32 s5, v4;
	v7 =	vld.idx.msk [tilespmem:v10+s23+$0x0], $0xffff  }
0x12c: {  	v17 =	vadd.s32 s4, v0;
	v21 =	vand.u32 $0x3F, v9;
	v13 =	vmul.bf16 v13, v12;
	v10 =	vld.idx.msk [tilespmem:v15+s23+$0x0], $0xffff  }
0x12d: {  	v22 =	vmul.bf16 v8, v14;
	v14 =	vand.u32 $0x3F, v17;
	v17 =	vor.u32 v6, v21;
	v9 =	vld.idx.msk [tilespmem:v15+s25+$0x0], $0xffff  }
0x12e: {  	v21 =	vadd.s32 s4, v2;
	v12 =	vld.idx.msk [tilespmem:v18+s23+$0x0], $0xffff  }
0x12f: {  	v19 =	vmul.bf16 v20, v19;
	v14 =	vor.u32 v6, v14;
	v15 =	vld.idx.msk [tilespmem:v18+s25+$0x0], $0xffff;
	v18 =	vadd.bf16 v22, v13  }
0x130: {  	s5 =	simm.s32 $0xC;
	v8 =	vimm.f32 $0.0e+00;
	v20 =	vadd.s32 s4, v3;
	v21 =	vand.u32 $0x3F, v21;
	v13 =	vld.idx.msk [tilespmem:v16+s23+$0x0], $0xffff  }
.LBB2_16:
0x131: {  	p1 =	sne.s32 s5, $0x3C;
	v21 =	vor.u32 v6, v21;
	v22 =	vld.idx.msk [tilespmem:v16+s25+$0x0], $0xffff;
	v18 =	vadd.bf16 v19, v18;
	v19 =	vmul.bf16 v11, v7  }
0x132: {  	v23 =	vadd.s32 s5, v0;
	v11 =	vand.u32 $0x3F, v20;
	v20 =	vadd.s32 s4, v4;
	v24 =	vmovc v10;
	s4 =	smov.u32 s5;
	v7 =	vld.idx.msk [tilespmem:v17+s23+$0x0], $0xffff  }
0x133: {  	v16 =	vor.u32 v6, v11;
	v20 =	vand.u32 $0x3F, v20;
	v11 =	vld.idx.msk [tilespmem:v17+s25+$0x0], $0xffff;
	v25 =	vadd.bf16 v19, v18  }
.Ltmp8:
0x134: {  	v18 =	vand.u32 $0x3F, v23;
	v17 =	vor.u32 v6, v20;
	v10 =	vld.idx.msk [tilespmem:v14+s23+$0x0], $0xffff;
	(pc) =	sbr.rel @p1 .LBB2_16-.Ltmp8, $4  }
0x135: {  	v19 =	vmul.bf16 v9, v24;
	v20 =	vmul.bf16 v15, v12;
	v9 =	vld.idx.msk [tilespmem:v14+s25+$0x0], $0xffff;
	v15 =	vunpack.i.l.bf16.f32 v25  }
0x136: {  	v23 =	vadd.s32 s5, v2;
	v14 =	vor.u32 v6, v18;
	v12 =	vld.idx.msk [tilespmem:v21+s23+$0x0], $0xffff;
	v8 =	vadd.f32 v15, v8  }
0x137: {  	v18 =	vadd.bf16 v20, v19;
	v19 =	vmul.bf16 v22, v13;
	v22 =	vunpack.i.u.bf16.f32 v25;
	v15 =	vld.idx.msk [tilespmem:v21+s25+$0x0], $0xffff  }
0x138: {  	s5 =	sadd.s32 $0x4, s5;
	v20 =	vadd.s32 s4, v3;
	v21 =	vand.u32 $0x3F, v23;
	v13 =	vld.idx.msk [tilespmem:v16+s23+$0x0], $0xffff;
	v8 =	vadd.f32 v8, v22  }
0x139: {  	_ =	sdelay $0x3  }
0x13a: {  	v21 =	vor.u32 v6, v21;
	v16 =	vld.idx.msk [tilespmem:v16+s25+$0x0], $0xffff  }
0x13b: {  	v20 =	vand.u32 $0x3F, v20;
	v22 =	vld.idx.msk [tilespmem:v17+s23+$0x0], $0xffff  }
0x13c: {  	v23 =	vadd.s32 s4, v4;
	v49 =	vld.idx.msk [tilespmem:v17+s25+$0x0], $0xffff;
	v20 =	vor.u32 v6, v20  }
0x13d: {  	v24 =	vld.idx.msk [tilespmem:v14+s23+$0x0], $0xffff;
	v23 =	vand.u32 $0x3F, v23  }
0x13e: {  	v50 =	vld.idx.msk [tilespmem:v14+s25+$0x0], $0xffff;
	v6 =	vor.u32 v6, v23  }
0x13f: {  	v51 =	vld.idx.msk [tilespmem:v21+s23+$0x0], $0xffff  }
0x140: {  	v18 =	vadd.bf16 v19, v18;
	v7 =	vmul.bf16 v11, v7;
	v52 =	vld.idx.msk [tilespmem:v21+s25+$0x0], $0xffff  }
0x141: {  	v9 =	vmul.bf16 v9, v10;
	v53 =	vmul.bf16 v15, v12;
	v54 =	vld.idx.msk [tilespmem:v20+s23+$0x0], $0xffff  }
0x142: {  	v7 =	vadd.bf16 v7, v18;
	v55 =	vld.idx.msk [tilespmem:v20+s25+$0x0], $0xffff  }
0x143: {  	v9 =	vadd.bf16 v53, v9;
	v56 =	vmul.bf16 v16, v13;
	v57 =	vld.idx.msk [tilespmem:v6+s23+$0x0], $0xffff  }
0x144: {  	v58 =	vunpack.i.l.bf16.f32 v7;
	v17 =	vmul.bf16 v49, v22;
	v6 =	vld.idx.msk [tilespmem:v6+s25+$0x0], $0xffff  }
0x145: {  	v59 =	vmul.bf16 v50, v24;
	v9 =	vadd.bf16 v56, v9;
	v11 =	vmul.bf16 v52, v51  }
0x146: {  	v7 =	vunpack.i.u.bf16.f32 v7;
	v8 =	vadd.f32 v58, v8  }
0x147: {  	v9 =	vadd.bf16 v17, v9;
	v60 =	vmul.bf16 v55, v54;
	v10 =	vadd.bf16 v11, v59  }
0x148: {  	v7 =	vadd.f32 v8, v7  }
0x149: {  	v61 =	vunpack.i.l.bf16.f32 v9;
	v6 =	vmul.bf16 v6, v57;
	v10 =	vadd.bf16 v60, v10  }
0x14a: {  	v7 =	vadd.f32 v61, v7  }
0x14b: {  	v62 =	vunpack.i.u.bf16.f32 v9;
	v6 =	vadd.bf16 v6, v10  }
0x14c: {  	v7 =	vadd.f32 v7, v62  }
0x14d: {  	v63 =	vunpack.i.l.bf16.f32 v6  }
0x14e: {  	v7 =	vadd.f32 v63, v7  }
0x14f: {  	v6 =	vunpack.i.u.bf16.f32 v6  }
0x150: {  	v6 =	vadd.f32 v7, v6  }
0x151: {  	v7 =	vld.idx.msk [tilespmem:v5+s9+$0x11620 ss:$0x1], $0xffff  }
0x152: {  	v6 =	vadd.f32 $1.000000000e+00, v6;
	_ =	sdelay $0x1  }
0x153: {  	s18 =	sadd.s32 $0x1, s18;
	v6 =	vmul.f32 $5.000000000e-01, v6  }
0x154: {  	p1 =	sne.s32 s18, $0x5  }
.Ltmp9:
0x155: {  	v6 =	vsub.f32 v6, v7;
	(pc) =	sbr.rel @p1 .LBB2_15-.Ltmp9, $3  }
0x156: {  	_ = 	snop  }
0x157: {  	v6 =	vmul.f32 v6, v6;
	_ =	sdelay $0x1  }
0x158: {  	[tilespmem:v5+s9+$0x13D30 ss:$0x1] =	vst.idx.msk $0xffff, v6  }
0x159: {  	s4 =	sadd.s32 @!p0 $0x280, s26;
	s5 =	simm.s32 @!p0 $0x50;
	s9 =	simm.s32 @!p0 $0x8A20  }
0x15a: {  	[tilespmem:s9], [sflag:$0x5] =	stream.indirect.gather @!p0 [hbm4b:s3+s5], $0x40, s4, s5, $0xb8;
	[tilespmem:$0x16440] =	vst v63  }
0x15b: {  	s4 =	sadd.s32 @!p0 $0x2990, s26;
	s9 =	simm.s32 @!p0 $0xEE20  }
0x15c: {  	[tilespmem:s9], [sflag:$0x5] =	stream.indirect.gather @!p0 [hbm4b:s3+s5], $0x40, s4, s5, $0xb8;
	[tilespmem:$0x16440] =	vst v63  }
0x15d: {  	_ =	swait.ge [sflag:s16], $0x1400  }
0x15e: {  	[sflag:s16] =	ssyncset.done $0x0  }
0x15f: {  	[sflag:s16] =	ssyncadd.s32 $0xFFFFEC00  }
0x160: {  	_ =	swait.ge [sflag:s16], $0x1400  }
0x161: {  	s18 =	sadd.s32 $0x140, s26;
	[sflag:s16] =	ssyncset.done $0x0  }
0x162: {  	s29 =	simm.s32 $0x0;
	v5 =	vmov s18;
	s18 =	simm.s32 $0x0;
	[sflag:s16] =	ssyncadd.s32 $0xFFFFEC00  }
.LBB2_19:
0x163: {  	s9 =	sshll.u32 s18, $0x4  }
0x164: {  	v6 =	vmov s9  }
0x165: {  	v7 =	vadd.s32 s29, v0;
	v6 =	vshll.u32 v6, $0x6  }
0x166: {  	v7 =	vand.u32 $0x3F, v7;
	v6 =	vor.u32 v1, v6  }
0x167: {  	v8 =	vadd.s32 s29, v2;
	v7 =	vor.u32 v6, v7  }
0x168: {  	v8 =	vand.u32 $0x3F, v8  }
0x169: {  	v9 =	vadd.s32 s29, v3;
	v8 =	vor.u32 v6, v8  }
0x16a: {  	v9 =	vand.u32 $0x3F, v9  }
0x16b: {  	v10 =	vadd.s32 s29, v4;
	v9 =	vor.u32 v6, v9  }
0x16c: {  	s5 =	simm.s32 $0x4;
	v10 =	vand.u32 $0x3F, v10;
	v12 =	vld.idx.msk [tilespmem:v7+s28+$0x0], $0xffff  }
0x16d: {  	v11 =	vadd.s32 s5, v0;
	v10 =	vor.u32 v6, v10;
	v13 =	vld.idx.msk [tilespmem:v7+s30+$0x0], $0xffff  }
0x16e: {  	v7 =	vand.u32 $0x3F, v11;
	v14 =	vld.idx.msk [tilespmem:v8+s28+$0x0], $0xffff  }
0x16f: {  	v8 =	vld.idx.msk [tilespmem:v8+s30+$0x0], $0xffff;
	v15 =	vor.u32 v6, v7;
	v7 =	vadd.s32 s5, v2  }
0x170: {  	v19 =	vld.idx.msk [tilespmem:v9+s28+$0x0], $0xffff;
	v7 =	vand.u32 $0x3F, v7  }
0x171: {  	v11 =	vadd.s32 s5, v3;
	v20 =	vld.idx.msk [tilespmem:v9+s30+$0x0], $0xffff;
	v18 =	vor.u32 v6, v7  }
0x172: {  	v9 =	vand.u32 $0x3F, v11;
	v11 =	vld.idx.msk [tilespmem:v10+s30+$0x0], $0xffff  }
0x173: {  	s4 =	simm.s32 $0x8;
	v16 =	vor.u32 v6, v9;
	v9 =	vadd.s32 s5, v4;
	v7 =	vld.idx.msk [tilespmem:v10+s28+$0x0], $0xffff  }
0x174: {  	v17 =	vadd.s32 s4, v0;
	v21 =	vand.u32 $0x3F, v9;
	v13 =	vmul.bf16 v13, v12;
	v10 =	vld.idx.msk [tilespmem:v15+s28+$0x0], $0xffff  }
0x175: {  	v22 =	vmul.bf16 v8, v14;
	v14 =	vand.u32 $0x3F, v17;
	v17 =	vor.u32 v6, v21;
	v9 =	vld.idx.msk [tilespmem:v15+s30+$0x0], $0xffff  }
0x176: {  	v21 =	vadd.s32 s4, v2;
	v12 =	vld.idx.msk [tilespmem:v18+s28+$0x0], $0xffff  }
0x177: {  	v19 =	vmul.bf16 v20, v19;
	v14 =	vor.u32 v6, v14;
	v15 =	vld.idx.msk [tilespmem:v18+s30+$0x0], $0xffff;
	v18 =	vadd.bf16 v22, v13  }
0x178: {  	s5 =	simm.s32 $0xC;
	v8 =	vimm.f32 $0.0e+00;
	v20 =	vadd.s32 s4, v3;
	v21 =	vand.u32 $0x3F, v21;
	v13 =	vld.idx.msk [tilespmem:v16+s28+$0x0], $0xffff  }
.LBB2_20:
0x179: {  	p1 =	sne.s32 s5, $0x3C;
	v21 =	vor.u32 v6, v21;
	v22 =	vld.idx.msk [tilespmem:v16+s30+$0x0], $0xffff;
	v18 =	vadd.bf16 v19, v18;
	v19 =	vmul.bf16 v11, v7  }
0x17a: {  	v23 =	vadd.s32 s5, v0;
	v11 =	vand.u32 $0x3F, v20;
	v20 =	vadd.s32 s4, v4;
	v24 =	vmovc v10;
	s4 =	smov.u32 s5;
	v7 =	vld.idx.msk [tilespmem:v17+s28+$0x0], $0xffff  }
0x17b: {  	v16 =	vor.u32 v6, v11;
	v20 =	vand.u32 $0x3F, v20;
	v11 =	vld.idx.msk [tilespmem:v17+s30+$0x0], $0xffff;
	v25 =	vadd.bf16 v19, v18  }
.Ltmp10:
0x17c: {  	v18 =	vand.u32 $0x3F, v23;
	v17 =	vor.u32 v6, v20;
	v10 =	vld.idx.msk [tilespmem:v14+s28+$0x0], $0xffff;
	(pc) =	sbr.rel @p1 .LBB2_20-.Ltmp10, $4  }
0x17d: {  	v19 =	vmul.bf16 v9, v24;
	v20 =	vmul.bf16 v15, v12;
	v9 =	vld.idx.msk [tilespmem:v14+s30+$0x0], $0xffff;
	v15 =	vunpack.i.l.bf16.f32 v25  }
0x17e: {  	v23 =	vadd.s32 s5, v2;
	v14 =	vor.u32 v6, v18;
	v12 =	vld.idx.msk [tilespmem:v21+s28+$0x0], $0xffff;
	v8 =	vadd.f32 v15, v8  }
0x17f: {  	v18 =	vadd.bf16 v20, v19;
	v19 =	vmul.bf16 v22, v13;
	v22 =	vunpack.i.u.bf16.f32 v25;
	v15 =	vld.idx.msk [tilespmem:v21+s30+$0x0], $0xffff  }
0x180: {  	s5 =	sadd.s32 $0x4, s5;
	v20 =	vadd.s32 s4, v3;
	v21 =	vand.u32 $0x3F, v23;
	v13 =	vld.idx.msk [tilespmem:v16+s28+$0x0], $0xffff;
	v8 =	vadd.f32 v8, v22  }
0x181: {  	_ =	sdelay $0x3  }
0x182: {  	v21 =	vor.u32 v6, v21;
	v16 =	vld.idx.msk [tilespmem:v16+s30+$0x0], $0xffff  }
0x183: {  	v20 =	vand.u32 $0x3F, v20;
	v22 =	vld.idx.msk [tilespmem:v17+s28+$0x0], $0xffff  }
0x184: {  	v23 =	vadd.s32 s4, v4;
	v49 =	vld.idx.msk [tilespmem:v17+s30+$0x0], $0xffff;
	v20 =	vor.u32 v6, v20  }
0x185: {  	v24 =	vld.idx.msk [tilespmem:v14+s28+$0x0], $0xffff;
	v23 =	vand.u32 $0x3F, v23  }
0x186: {  	v50 =	vld.idx.msk [tilespmem:v14+s30+$0x0], $0xffff;
	v6 =	vor.u32 v6, v23  }
0x187: {  	v51 =	vld.idx.msk [tilespmem:v21+s28+$0x0], $0xffff  }
0x188: {  	v18 =	vadd.bf16 v19, v18;
	v7 =	vmul.bf16 v11, v7;
	v52 =	vld.idx.msk [tilespmem:v21+s30+$0x0], $0xffff  }
0x189: {  	v9 =	vmul.bf16 v9, v10;
	v53 =	vmul.bf16 v15, v12;
	v54 =	vld.idx.msk [tilespmem:v20+s28+$0x0], $0xffff  }
0x18a: {  	v7 =	vadd.bf16 v7, v18;
	v55 =	vld.idx.msk [tilespmem:v20+s30+$0x0], $0xffff  }
0x18b: {  	v9 =	vadd.bf16 v53, v9;
	v56 =	vmul.bf16 v16, v13;
	v57 =	vld.idx.msk [tilespmem:v6+s28+$0x0], $0xffff  }
0x18c: {  	v58 =	vunpack.i.l.bf16.f32 v7;
	v17 =	vmul.bf16 v49, v22;
	v6 =	vld.idx.msk [tilespmem:v6+s30+$0x0], $0xffff  }
0x18d: {  	v59 =	vmul.bf16 v50, v24;
	v9 =	vadd.bf16 v56, v9;
	v11 =	vmul.bf16 v52, v51  }
0x18e: {  	v7 =	vunpack.i.u.bf16.f32 v7;
	v8 =	vadd.f32 v58, v8  }
0x18f: {  	v9 =	vadd.bf16 v17, v9;
	v60 =	vmul.bf16 v55, v54;
	v10 =	vadd.bf16 v11, v59  }
0x190: {  	v7 =	vadd.f32 v8, v7  }
0x191: {  	v61 =	vunpack.i.l.bf16.f32 v9;
	v6 =	vmul.bf16 v6, v57;
	v10 =	vadd.bf16 v60, v10  }
0x192: {  	v7 =	vadd.f32 v61, v7  }
0x193: {  	v62 =	vunpack.i.u.bf16.f32 v9;
	v6 =	vadd.bf16 v6, v10  }
0x194: {  	v7 =	vadd.f32 v7, v62  }
0x195: {  	v63 =	vunpack.i.l.bf16.f32 v6  }
0x196: {  	v7 =	vadd.f32 v63, v7  }
0x197: {  	v6 =	vunpack.i.u.bf16.f32 v6  }
0x198: {  	v6 =	vadd.f32 v7, v6  }
0x199: {  	v7 =	vld.idx.msk [tilespmem:v5+s9+$0x11620 ss:$0x1], $0xffff  }
0x19a: {  	v6 =	vadd.f32 $1.000000000e+00, v6;
	_ =	sdelay $0x1  }
0x19b: {  	s18 =	sadd.s32 $0x1, s18;
	v6 =	vmul.f32 $5.000000000e-01, v6  }
0x19c: {  	p1 =	sne.s32 s18, $0x5  }
.Ltmp11:
0x19d: {  	v6 =	vsub.f32 v6, v7;
	(pc) =	sbr.rel @p1 .LBB2_19-.Ltmp11, $3  }
0x19e: {  	_ = 	snop  }
0x19f: {  	v6 =	vmul.f32 v6, v6;
	_ =	sdelay $0x1  }
0x1a0: {  	[tilespmem:v5+s9+$0x13D30 ss:$0x1] =	vst.idx.msk $0xffff, v6  }
.Ltmp12:
0x1a1: {  	(pc) =	sbr.rel @p0 .LBB2_24-.Ltmp12, $1  }
0x1a2: {  	_ =	sdelay $0x3  }
.Ltmp13:
0x1a3: {  	(pc) =	sbr.rel .LBB2_2-.Ltmp13, $4  }
0x1a4: {  	s4 =	sadd.s32 $0x2D0, s26  }
0x1a5: {  	[tilespmem:s28], [sflag:$0x6] =	stream.indirect.gather [hbm4b:s3+s12], $0x40, s4, s12, $0xb8;
	[tilespmem:$0x16440] =	vst v63  }
0x1a6: {  	s29 =	sadd.s32 $0x29E0, s26;
	s24 =	sadd.s32 $0x1, s24  }
0x1a7: {  	[tilespmem:s30], [sflag:$0x6] =	stream.indirect.gather [hbm4b:s3+s12], $0x40, s29, s12, $0xb8;
	[tilespmem:$0x16440] =	vst v63  }
.LBB2_25:
0x1a8: {  	_ =	sfence.sel $0x180000  }
0x1a9: {  	[bflag:$0x0] =	sbarrier.arrive $0xFFFF  }
0x1aa: {  	_ =	strace $0x90000047  }
0x1ab: {  	s0 =	stileid.u32;
	[bflag:$0x2] =	sbarrier.arrive $0xFFFF  }
0x1ac: {  	p0 =	sne.s32 s0, $0x0;
	s0 =	rddreg [dreg:$0x5]  }
0x1ad: {  	s0 =	sadd.s32 @!p0 $0x100000, s0  }
0x1ae: {  	[sflag:s0] =	ssyncadd.tile.s32 @!p0 $0x1;
	_ =	shalt  }
.Lfunc_end2:
_tile_overlayer_lowered:
.L_overlay_start_2:
0x1af: {  	(tag) =	ssettag $0x2  }
0x1b0: {  	s0 =	rddreg [dreg:$0x0];
	s2 =	stileid.u32  }
0x1b1: {  	s1 =	rddreg [dreg:$0x1];
	p0 =	sne.s32 s2, $0x0  }
0x1b2: {  	s3 =	rddreg [dreg:$0x2];
	[bflag:$0x3] =	sbarrier.arrive $0xFFFF;
	s2 =	simm.s32 @!p0 $0x1C07  }
0x1b3: {  	[timem:s3], [sflag:s2] =	dma.local @!p0 [hbm:s0], s1  }
0x1b4: {  	s0 =	simm.s32 @!p0 $0x7  }
0x1b5: {  	_ =	swait.ge @!p0 [sflag:s0], s1  }
0x1b6: {  	s1 =	ssub.s32 @!p0 $0x0, s1;
	[sflag:s0] =	ssyncset.done @!p0 $0x0  }
0x1b7: {  	[sflag:s0] =	ssyncadd.s32 @!p0 s1  }
0x1b8: {  	[bflag:$0x3] =	sbarrier.arrive $0xFFFF  }
0x1b9: {  	_ =	shalt  }

</sc_bundles>
